<compile_context>
chip_gen: v7x
topology: tpu7x:2x2x1
jax: 0.10.2.dev20260603
libtpu: 0.0.44.dev20260713+nightly
codegen_flags: <defaults>
</compile_context>

<pallas_src>
import functools

import jax
import jax.numpy as jnp
from jax import lax
from jax.experimental import pallas as pl
from jax.experimental.pallas import tpu as pltpu
from jax.experimental.pallas import tpu_sc as plsc

N = 10000
D = 128
NH = 8
HID = 16
OUT_CH = 64
REC = D + 2 * NH
NCORES = 2
NSUB = 16
CHUNK = 40

f32 = jnp.float32



def _prep_body(act, w, a_s, a_d, hpack_o, aldp_o, initall_o):
  h = jnp.dot(act[...], w[...], preferred_element_type=f32)
  br = h.shape[0]
  h3 = h.reshape(br, NH, HID)
  als = jnp.sum(h3 * a_s[...][None], axis=-1)
  ald = jnp.sum(h3 * a_d[...][None], axis=-1)
  s = als + ald
  ex0 = jnp.exp(jnp.where(s > 0, s, 0.2 * s))
  hpack_o[...] = jnp.concatenate([h, als, ald], axis=1)
  zald = jnp.zeros_like(ald)
  aldp_o[...] = jnp.concatenate([ald, zald], axis=1)
  selfnum = (h3 * ex0[:, :, None]).reshape(br, D)
  initall_o[0] = jnp.concatenate([selfnum, ex0, zald], axis=1)
  initall_o[1] = jnp.zeros((br, REC), f32)


def _prep(act, w, a_s, a_d):
  br = 2000
  grid = (N // br,)
  return pl.pallas_call(
      _prep_body,
      grid=grid,
      in_specs=[
          pl.BlockSpec((br, D), lambda i: (i, 0)),
          pl.BlockSpec((D, D), lambda i: (0, 0)),
          pl.BlockSpec((NH, HID), lambda i: (0, 0)),
          pl.BlockSpec((NH, HID), lambda i: (0, 0)),
      ],
      out_specs=[
          pl.BlockSpec((br, REC), lambda i: (i, 0)),
          pl.BlockSpec((br, 2 * NH), lambda i: (i, 0)),
          pl.BlockSpec((2, br, REC), lambda i: (0, i, 0)),
      ],
      out_shape=[
          jax.ShapeDtypeStruct((N, REC), f32),
          jax.ShapeDtypeStruct((N, 2 * NH), f32),
          jax.ShapeDtypeStruct((2, N, REC), f32),
      ],
  )(act, w, a_s, a_d)



def _edge_body(nchunks, hpack, aldp, srcs, dsts, initall, acc2,
               acc_sh,
               srcv0, dstv0, hsb0, aldb0, msgb0, dscat0,
               srcv1, dstv1, hsb1, aldb1, msgb1, dscat1,
               sg0, sg1, ss0, ss1):
  c = lax.axis_index("c")
  s = lax.axis_index("s")
  wid = c * NSUB + s
  rows = N // NSUB
  r0 = s * rows
  pltpu.sync_copy(initall.at[c, pl.ds(r0, rows)], acc_sh.at[pl.ds(r0, rows)])
  plsc.subcore_barrier()

  base_w = wid * nchunks * CHUNK
  bufs = ((srcv0, dstv0, hsb0, aldb0, msgb0, dscat0, sg0, ss0),
          (srcv1, dstv1, hsb1, aldb1, msgb1, dscat1, sg1, ss1))

  def issue(k, b):
    srcv, dstv, hsb, aldb, _, _, sg, _ = bufs[b]
    base = base_w + k * CHUNK
    pltpu.sync_copy(srcs.at[pl.ds(base, CHUNK)], srcv)
    pltpu.sync_copy(dsts.at[pl.ds(base, CHUNK)], dstv)
    pltpu.async_copy(hpack.at[srcv], hsb, sg)
    pltpu.async_copy(aldp.at[dstv], aldb, sg)

  def wait_gathers(b):
    srcv, dstv, hsb, aldb, _, _, sg, _ = bufs[b]
    pltpu.make_async_copy(hpack.at[srcv], hsb, sg).wait()
    pltpu.make_async_copy(aldp.at[dstv], aldb, sg).wait()

  def compute(b):
    _, _, hsb, aldb, msgb, _, _, _ = bufs[b]

    @functools.partial(plsc.parallel_loop, 0, CHUNK, unroll=8)
    def exloop(e):
      srow = hsb[e, pl.ds(D, 16)]
      drow = aldb[e, pl.ds(0, 16)]
      sm = srow + drow
      msgb[e, pl.ds(D, 16)] = jnp.exp(jnp.where(sm > 0, sm, 0.2 * sm))

    @functools.partial(plsc.parallel_loop, 0, CHUNK, unroll=4)
    def msgloop(e):
      ex = msgb[e, pl.ds(D, 16)]
      for hh in range(NH):
        msgb[e, pl.ds(hh * HID, 16)] = hsb[e, pl.ds(hh * HID, 16)] * ex[hh]

  def do_scatter(b):
    _, dstv, _, _, msgb, _, _, _ = bufs[b]
    pltpu.sync_copy(msgb, acc_sh.at[dstv], add=True)

  issue(0, 0)
  issue(1, 1)
  npairs = nchunks // 2

  def pair(i2, carry):
    k = 2 * i2
    wait_gathers(0)
    compute(0)
    wait_gathers(1)
    compute(1)
    do_scatter(0)
    do_scatter(1)
    issue(k + 2, 0)
    issue(k + 3, 1)
    return carry

  lax.fori_loop(0, npairs, pair, 0)
  wait_gathers(0)
  wait_gathers(1)

  plsc.subcore_barrier()
  pltpu.sync_copy(acc_sh.at[pl.ds(r0, rows)], acc2.at[c, pl.ds(r0, rows)])


def _edge_pass(hpack, aldp, srcs, dsts, initall):
  e_total = srcs.shape[0] - 2 * CHUNK
  epw = e_total // (NCORES * NSUB)
  assert epw * NCORES * NSUB == e_total and epw % CHUNK == 0
  nchunks = epw // CHUNK
  assert nchunks % 2 == 0
  mesh = plsc.VectorSubcoreMesh(core_axis_name="c", subcore_axis_name="s")
  buf_types = [
      pltpu.VMEM((CHUNK,), jnp.int32),
      pltpu.VMEM((CHUNK,), jnp.int32),
      pltpu.VMEM((CHUNK, REC), f32),
      pltpu.VMEM((CHUNK, 2 * NH), f32),
      pltpu.VMEM((CHUNK, REC), f32),
      pltpu.VMEM((CHUNK,), jnp.int32),
  ]
  kern = pl.kernel(
      functools.partial(_edge_body, nchunks),
      out_type=jax.ShapeDtypeStruct((2, N, REC), f32),
      mesh=mesh,
      compiler_params=pltpu.CompilerParams(use_tc_tiling_on_sc=False),
      scratch_types=(
          [pltpu.VMEM_SHARED((N, REC), f32)]
          + buf_types + buf_types
          + [pltpu.SemaphoreType.DMA] * 4
      ),
  )
  return kern(hpack, aldp, srcs, dsts, initall)



def _finish_body(acc2, b, o_ref):
  a0 = acc2[0]
  a1 = acc2[1]
  num = a0[:, :D] + a1[:, :D]
  den = a0[:, D:D + NH] + a1[:, D:D + NH]
  br = num.shape[0]
  o3 = num.reshape(br, NH, HID) / (den[:, :, None] + 1e-16)
  o = o3.reshape(br, D) + b[...]
  o_ref[...] = jnp.where(o > 0, o, jnp.exp(o) - 1.0)


def _finish(acc2, b):
  br = 2000
  grid = (N // br,)
  return pl.pallas_call(
      _finish_body,
      grid=grid,
      in_specs=[
          pl.BlockSpec((2, br, REC), lambda i: (0, i, 0)),
          pl.BlockSpec((1, D), lambda i: (0, 0)),
      ],
      out_specs=pl.BlockSpec((br, D), lambda i: (i, 0)),
      out_shape=jax.ShapeDtypeStruct((N, D), f32),
  )(acc2, b)



def _final_body(o0, o1, o2, caw, cab, fcw, fcb, out_ref):
  agg = jnp.zeros_like(o0[...])
  for l, o in enumerate((o0, o1, o2)):
    t = jnp.dot(o[...], caw[...][:, l:l + 1], preferred_element_type=f32)
    t = t + cab[0, l]
    w = 1.0 / (1.0 + jnp.exp(-t))
    agg = agg + o[...] * w
  logits = jnp.dot(agg, fcw[...], preferred_element_type=f32) + fcb[...]
  m = jnp.max(logits, axis=1, keepdims=True)
  z = logits - m
  ls = jnp.log(jnp.sum(jnp.exp(z), axis=1, keepdims=True))
  out_ref[...] = z - ls


def _final(o0, o1, o2, caw, cab, fcw, fcb):
  br = 2000
  grid = (N // br,)
  blk = lambda i: (i, 0)
  rep = lambda i: (0, 0)
  return pl.pallas_call(
      _final_body,
      grid=grid,
      in_specs=[
          pl.BlockSpec((br, D), blk),
          pl.BlockSpec((br, D), blk),
          pl.BlockSpec((br, D), blk),
          pl.BlockSpec((D, 3), rep),
          pl.BlockSpec((1, 3), rep),
          pl.BlockSpec((D, OUT_CH), rep),
          pl.BlockSpec((1, OUT_CH), rep),
      ],
      out_specs=pl.BlockSpec((br, OUT_CH), blk),
      out_shape=jax.ShapeDtypeStruct((N, OUT_CH), f32),
  )(o0, o1, o2, caw, cab, fcw, fcb)


@jax.jit
def kernel(x, edge_index, W0, as0, ad0, b0, caw0, cab0, W1, as1, ad1, b1,
           caw1, cab1, W2, as2, ad2, b2, caw2, cab2, fcw, fcb):
  pad = jnp.zeros((2 * CHUNK,), edge_index.dtype)
  srcs = jnp.concatenate([edge_index[0], pad])
  dsts = jnp.concatenate([edge_index[1], pad])
  params = [(W0, as0, ad0, b0), (W1, as1, ad1, b1), (W2, as2, ad2, b2)]
  act = x
  outs = []
  for (w, a_s, a_d, b) in params:
    hpack, aldp, initall = _prep(act, w, a_s, a_d)
    acc2 = _edge_pass(hpack, aldp, srcs, dsts, initall)
    act = _finish(acc2, b.reshape(1, D))
    outs.append(act)
  caw = jnp.concatenate([caw0, caw1, caw2], axis=1)
  cab = jnp.stack([cab0, cab1, cab2], axis=1).reshape(1, 3)
  return _final(outs[0], outs[1], outs[2], caw, cab, fcw,
                fcb.reshape(1, OUT_CH))

# --- scband reference (transcript-rebuilt; emitter-appended) ---
"""Pipeline reference for scband-multi-layer-gatwith-channel-attention-63453846831375 (READ-ONLY COPY).

The authoritative reference and input builder live on the scoring server;
editing this copy changes nothing except your own understanding.
"""

import jax, jax.numpy as jnp
import numpy as np

N = 10000
E = 320000
IN_CH = 128
HID = 16
HEADS = 8
OUT_CH = 64
NUM_LAYERS = 3
D = HID * HEADS  # 128


def _w(key, shape, scale=0.1):
    return jax.random.normal(key, shape, jnp.float32) * scale


def setup_inputs(seed: int = 0) -> dict:
    key = jax.random.key(seed)
    ks = jax.random.split(key, 24)
    inp = {}
    inp["x"] = jax.random.normal(ks[0], (N, IN_CH), jnp.float32)
    inp["edge_index"] = jax.random.randint(ks[1], (2, E), 0, N, jnp.int32)
    dims = [IN_CH, D, D]
    for i in range(NUM_LAYERS):
        inp[f"W{i}"] = _w(ks[2 + 4 * i], (dims[i], D))
        inp[f"as{i}"] = _w(ks[3 + 4 * i], (HEADS, HID))
        inp[f"ad{i}"] = _w(ks[4 + 4 * i], (HEADS, HID))
        inp[f"b{i}"] = jnp.zeros((D,), jnp.float32)
        inp[f"caw{i}"] = _w(ks[14 + 2 * i], (D, 1))
        inp[f"cab{i}"] = jnp.zeros((1,), jnp.float32)
    inp["fcw"] = _w(ks[22], (D, OUT_CH))
    inp["fcb"] = jnp.zeros((OUT_CH,), jnp.float32)
    return inp


def _gat_conv(x, src, dst, W, a_src, a_dst, b):
    # PyG GATConv (concat=True, negative_slope=0.2), self-loops already in src/dst
    h = (x @ W).reshape(N, HEADS, HID)
    al_s = jnp.sum(h * a_src[None, :, :], axis=-1)  # [N, H]
    al_d = jnp.sum(h * a_dst[None, :, :], axis=-1)  # [N, H]
    e = jax.nn.leaky_relu(al_s[src] + al_d[dst], 0.2)  # [E', H]
    m = jax.ops.segment_max(e, dst, num_segments=N)
    m = jax.lax.stop_gradient(jnp.where(jnp.isfinite(m), m, 0.0))
    ex = jnp.exp(e - m[dst])
    den = jax.ops.segment_sum(ex, dst, num_segments=N)
    alpha = ex / (den[dst] + 1e-16)  # segment softmax over incoming edges
    msg = h[src] * alpha[:, :, None]
    out = jax.ops.segment_sum(msg, dst, num_segments=N)
    return out.reshape(N, D) + b


def reference(x, edge_index, W0, as0, ad0, b0, caw0, cab0, W1, as1, ad1, b1, caw1, cab1, W2, as2, ad2, b2, caw2, cab2, fcw, fcb):
    loop = jnp.arange(N, dtype=edge_index.dtype)
    src = jnp.concatenate([edge_index[0], loop])
    dst = jnp.concatenate([edge_index[1], loop])
    params = [(W0, as0, ad0, b0), (W1, as1, ad1, b1), (W2, as2, ad2, b2)]
    ca = [(caw0, cab0), (caw1, cab1), (caw2, cab2)]
    h = x
    outs = []
    for (W, a_s, a_d, b) in params:
        h = _gat_conv(h, src, dst, W, a_s, a_d, b)
        h = jax.nn.elu(h)
        # F.dropout(training=False) is identity in eval mode
        outs.append(h)
    attw = jnp.stack([jax.nn.sigmoid(o @ cw + cb) for o, (cw, cb) in zip(outs, ca)], axis=1)  # [N, L, 1]
    lo = jnp.stack(outs, axis=1)  # [N, L, D]
    agg = jnp.sum(lo * attw, axis=1)  # [N, D]
    logits = agg @ fcw + fcb
    return jax.nn.log_softmax(logits, axis=1)

if __name__ == "__main__":
    import jax
    _d = setup_inputs()
    print(jax.jit(kernel)(*tuple(_d.values())))

</pallas_src>

<mosaic_0001>
#map = affine_map<(d0, d1) -> (0, 0)>
#map1 = affine_map<(d0, d1) -> (0)>
#map2 = affine_map<(d0, d1) -> (0, 0, 0)>
module attributes {stable_mosaic.version = 14 : i64} {
  func.func @_edge_body(%arg0: i32, %arg1: i32, %arg2: memref<10000x144xf32, #tpu.memory_space<hbm>>, %arg3: memref<10000x16xf32, #tpu.memory_space<hbm>>, %arg4: memref<320080xi32, #tpu.memory_space<hbm>>, %arg5: memref<320080xi32, #tpu.memory_space<hbm>>, %arg6: memref<2x10000x144xf32, #tpu.memory_space<hbm>>, %arg7: memref<2x10000x144xf32, #tpu.memory_space<hbm>>, %arg8: memref<10000x144xf32, #tpu.memory_space<vmem_shared>>, %arg9: memref<40xi32, #tpu.memory_space<vmem>>, %arg10: memref<40xi32, #tpu.memory_space<vmem>>, %arg11: memref<40x144xf32, #tpu.memory_space<vmem>>, %arg12: memref<40x16xf32, #tpu.memory_space<vmem>>, %arg13: memref<40x144xf32, #tpu.memory_space<vmem>>, %arg14: memref<40xi32, #tpu.memory_space<vmem>>, %arg15: memref<40xi32, #tpu.memory_space<vmem>>, %arg16: memref<40xi32, #tpu.memory_space<vmem>>, %arg17: memref<40x144xf32, #tpu.memory_space<vmem>>, %arg18: memref<40x16xf32, #tpu.memory_space<vmem>>, %arg19: memref<40x144xf32, #tpu.memory_space<vmem>>, %arg20: memref<40xi32, #tpu.memory_space<vmem>>, %arg21: memref<!tpu.dma_semaphore, #tpu.memory_space<semaphore_mem>>, %arg22: memref<!tpu.dma_semaphore, #tpu.memory_space<semaphore_mem>>, %arg23: memref<!tpu.dma_semaphore, #tpu.memory_space<semaphore_mem>>, %arg24: memref<!tpu.dma_semaphore, #tpu.memory_space<semaphore_mem>>) attributes {dimension_semantics = [#tpu.dimension_semantics<core_parallel>, #tpu.dimension_semantics<subcore_parallel>], iteration_bounds = array<i64: 2, 16>, scalar_prefetch = 0 : i64, scratch_operands = 17 : i64, tpu.core_type = #tpu.core_type<sc_vector_subcore>, window_params = [{transform_indices = #map}, {transform_indices = #map}, {transform_indices = #map1}, {transform_indices = #map1}, {transform_indices = #map2}, {transform_indices = #map2}]} {
    %mul3A = arith.constant 16 : i32
    %mul3A_0 = arith.muli %arg0, %mul3A : i32
    %add3A = arith.addi %mul3A_0, %arg1 : i32
    %mul3A_1 = arith.constant 625 : i32
    %mul3A_2 = arith.muli %arg1, %mul3A_1 : i32
    "tpu.region"() ({
      %run_scoped3A = tpu.sem_alloc : memref<!tpu.dma_semaphore, #tpu.memory_space<semaphore_mem>>
      %dma_start3A_39 = arith.constant 0 : i32
      %dma_start3A_40 = tpu.memref_slice %arg8[%mul3A_2, %dma_start3A_39] : memref<10000x144xf32, #tpu.memory_space<vmem_shared>> -> memref<625x144xf32, #tpu.memory_space<vmem_shared>>
      %dma_start3A_41 = arith.constant 0 : i32
      %dma_start3A_42 = tpu.memref_slice %arg6[%arg0, %mul3A_2, %dma_start3A_41] : memref<2x10000x144xf32, #tpu.memory_space<hbm>> -> memref<1x625x144xf32, #tpu.memory_space<hbm>>
      %dma_start3A_43 = tpu.memref_squeeze %dma_start3A_42 : memref<1x625x144xf32, #tpu.memory_space<hbm>> -> memref<625x144xf32, #tpu.memory_space<hbm>>
      tpu.enqueue_dma source(%dma_start3A_43 : memref<625x144xf32, #tpu.memory_space<hbm>>) target(%dma_start3A_40 : memref<625x144xf32, #tpu.memory_space<vmem_shared>>) target_semaphore(%run_scoped3A : memref<!tpu.dma_semaphore, #tpu.memory_space<semaphore_mem>>)
      %dma_wait3A_44 = arith.constant 0 : i32
      %dma_wait3A_45 = tpu.memref_slice %arg8[%mul3A_2, %dma_wait3A_44] : memref<10000x144xf32, #tpu.memory_space<vmem_shared>> -> memref<625x144xf32, #tpu.memory_space<vmem_shared>>
      %dma_wait3A_46 = arith.constant 0 : i32
      %dma_wait3A_47 = tpu.memref_slice %arg6[%arg0, %mul3A_2, %dma_wait3A_46] : memref<2x10000x144xf32, #tpu.memory_space<hbm>> -> memref<1x625x144xf32, #tpu.memory_space<hbm>>
      %dma_wait3A_48 = tpu.memref_squeeze %dma_wait3A_47 : memref<1x625x144xf32, #tpu.memory_space<hbm>> -> memref<625x144xf32, #tpu.memory_space<hbm>>
      tpu.wait_dma2 semaphore(%run_scoped3A : memref<!tpu.dma_semaphore, #tpu.memory_space<semaphore_mem>>) src(%dma_wait3A_48 : memref<625x144xf32, #tpu.memory_space<hbm>>) dst(%dma_wait3A_45 : memref<625x144xf32, #tpu.memory_space<vmem_shared>>)
      tpu.yield
    }) : () -> ()
    %barrier3A = arith.constant 0 : index
    tpu.barrier barrier_id(%barrier3A)
    %mul3A_3 = arith.constant 250 : i32
    %mul3A_4 = arith.muli %add3A, %mul3A_3 : i32
    %mul3A_5 = arith.constant 40 : i32
    %mul3A_6 = arith.muli %mul3A_4, %mul3A_5 : i32
    %add3A_7 = arith.constant 0 : i32
    %add3A_8 = arith.addi %mul3A_6, %add3A_7 : i32
    "tpu.region"() ({
      %run_scoped3A = tpu.sem_alloc : memref<!tpu.dma_semaphore, #tpu.memory_space<semaphore_mem>>
      %dma_start3A_39 = tpu.memref_slice %arg4[%add3A_8] : memref<320080xi32, #tpu.memory_space<hbm>> -> memref<40xi32, #tpu.memory_space<hbm>>
      %dma_start3A_40 = tpu.memref_slice %arg4[%add3A_8] : memref<320080xi32, #tpu.memory_space<hbm>> -> memref<40xi32, #tpu.memory_space<hbm>>
      tpu.enqueue_dma source(%dma_start3A_40 : memref<40xi32, #tpu.memory_space<hbm>>) target(%arg9 : memref<40xi32, #tpu.memory_space<vmem>>) target_semaphore(%run_scoped3A : memref<!tpu.dma_semaphore, #tpu.memory_space<semaphore_mem>>)
      %dma_wait3A_41 = tpu.memref_slice %arg4[%add3A_8] : memref<320080xi32, #tpu.memory_space<hbm>> -> memref<40xi32, #tpu.memory_space<hbm>>
      %dma_wait3A_42 = tpu.memref_slice %arg4[%add3A_8] : memref<320080xi32, #tpu.memory_space<hbm>> -> memref<40xi32, #tpu.memory_space<hbm>>
      tpu.wait_dma2 semaphore(%run_scoped3A : memref<!tpu.dma_semaphore, #tpu.memory_space<semaphore_mem>>) src(%dma_wait3A_42 : memref<40xi32, #tpu.memory_space<hbm>>) dst(%arg9 : memref<40xi32, #tpu.memory_space<vmem>>)
      tpu.yield
    }) : () -> ()
    "tpu.region"() ({
      %run_scoped3A = tpu.sem_alloc : memref<!tpu.dma_semaphore, #tpu.memory_space<semaphore_mem>>
      %dma_start3A_39 = tpu.memref_slice %arg5[%add3A_8] : memref<320080xi32, #tpu.memory_space<hbm>> -> memref<40xi32, #tpu.memory_space<hbm>>
      %dma_start3A_40 = tpu.memref_slice %arg5[%add3A_8] : memref<320080xi32, #tpu.memory_space<hbm>> -> memref<40xi32, #tpu.memory_space<hbm>>
      tpu.enqueue_dma source(%dma_start3A_40 : memref<40xi32, #tpu.memory_space<hbm>>) target(%arg10 : memref<40xi32, #tpu.memory_space<vmem>>) target_semaphore(%run_scoped3A : memref<!tpu.dma_semaphore, #tpu.memory_space<semaphore_mem>>)
      %dma_wait3A_41 = tpu.memref_slice %arg5[%add3A_8] : memref<320080xi32, #tpu.memory_space<hbm>> -> memref<40xi32, #tpu.memory_space<hbm>>
      %dma_wait3A_42 = tpu.memref_slice %arg5[%add3A_8] : memref<320080xi32, #tpu.memory_space<hbm>> -> memref<40xi32, #tpu.memory_space<hbm>>
      tpu.wait_dma2 semaphore(%run_scoped3A : memref<!tpu.dma_semaphore, #tpu.memory_space<semaphore_mem>>) src(%dma_wait3A_42 : memref<40xi32, #tpu.memory_space<hbm>>) dst(%arg10 : memref<40xi32, #tpu.memory_space<vmem>>)
      tpu.yield
    }) : () -> ()
    %dma_start3A = arith.constant 0 : i32
    %dma_start3A_9 = arith.constant 0 : i32
    %dma_start3A_10 = tpu.memref_slice %arg2[%dma_start3A, %dma_start3A_9] : memref<10000x144xf32, #tpu.memory_space<hbm>> -> memref<10000x144xf32, #tpu.memory_space<hbm>>
    tpu.enqueue_indirect_dma source(%dma_start3A_10 : memref<10000x144xf32, #tpu.memory_space<hbm>>) target(%arg11 : memref<40x144xf32, #tpu.memory_space<vmem>>) offsets(%arg9 : memref<40xi32, #tpu.memory_space<vmem>>) semaphore(%arg21 : memref<!tpu.dma_semaphore, #tpu.memory_space<semaphore_mem>>)
    %dma_start3A_11 = arith.constant 0 : i32
    %dma_start3A_12 = arith.constant 0 : i32
    %dma_start3A_13 = tpu.memref_slice %arg3[%dma_start3A_11, %dma_start3A_12] : memref<10000x16xf32, #tpu.memory_space<hbm>> -> memref<10000x16xf32, #tpu.memory_space<hbm>>
    tpu.enqueue_indirect_dma source(%dma_start3A_13 : memref<10000x16xf32, #tpu.memory_space<hbm>>) target(%arg12 : memref<40x16xf32, #tpu.memory_space<vmem>>) offsets(%arg10 : memref<40xi32, #tpu.memory_space<vmem>>) semaphore(%arg21 : memref<!tpu.dma_semaphore, #tpu.memory_space<semaphore_mem>>)
    %add3A_14 = arith.constant 40 : i32
    %add3A_15 = arith.addi %mul3A_6, %add3A_14 : i32
    "tpu.region"() ({
      %run_scoped3A = tpu.sem_alloc : memref<!tpu.dma_semaphore, #tpu.memory_space<semaphore_mem>>
      %dma_start3A_39 = tpu.memref_slice %arg4[%add3A_15] : memref<320080xi32, #tpu.memory_space<hbm>> -> memref<40xi32, #tpu.memory_space<hbm>>
      %dma_start3A_40 = tpu.memref_slice %arg4[%add3A_15] : memref<320080xi32, #tpu.memory_space<hbm>> -> memref<40xi32, #tpu.memory_space<hbm>>
      tpu.enqueue_dma source(%dma_start3A_40 : memref<40xi32, #tpu.memory_space<hbm>>) target(%arg15 : memref<40xi32, #tpu.memory_space<vmem>>) target_semaphore(%run_scoped3A : memref<!tpu.dma_semaphore, #tpu.memory_space<semaphore_mem>>)
      %dma_wait3A_41 = tpu.memref_slice %arg4[%add3A_15] : memref<320080xi32, #tpu.memory_space<hbm>> -> memref<40xi32, #tpu.memory_space<hbm>>
      %dma_wait3A_42 = tpu.memref_slice %arg4[%add3A_15] : memref<320080xi32, #tpu.memory_space<hbm>> -> memref<40xi32, #tpu.memory_space<hbm>>
      tpu.wait_dma2 semaphore(%run_scoped3A : memref<!tpu.dma_semaphore, #tpu.memory_space<semaphore_mem>>) src(%dma_wait3A_42 : memref<40xi32, #tpu.memory_space<hbm>>) dst(%arg15 : memref<40xi32, #tpu.memory_space<vmem>>)
      tpu.yield
    }) : () -> ()
    "tpu.region"() ({
      %run_scoped3A = tpu.sem_alloc : memref<!tpu.dma_semaphore, #tpu.memory_space<semaphore_mem>>
      %dma_start3A_39 = tpu.memref_slice %arg5[%add3A_15] : memref<320080xi32, #tpu.memory_space<hbm>> -> memref<40xi32, #tpu.memory_space<hbm>>
      %dma_start3A_40 = tpu.memref_slice %arg5[%add3A_15] : memref<320080xi32, #tpu.memory_space<hbm>> -> memref<40xi32, #tpu.memory_space<hbm>>
      tpu.enqueue_dma source(%dma_start3A_40 : memref<40xi32, #tpu.memory_space<hbm>>) target(%arg16 : memref<40xi32, #tpu.memory_space<vmem>>) target_semaphore(%run_scoped3A : memref<!tpu.dma_semaphore, #tpu.memory_space<semaphore_mem>>)
      %dma_wait3A_41 = tpu.memref_slice %arg5[%add3A_15] : memref<320080xi32, #tpu.memory_space<hbm>> -> memref<40xi32, #tpu.memory_space<hbm>>
      %dma_wait3A_42 = tpu.memref_slice %arg5[%add3A_15] : memref<320080xi32, #tpu.memory_space<hbm>> -> memref<40xi32, #tpu.memory_space<hbm>>
      tpu.wait_dma2 semaphore(%run_scoped3A : memref<!tpu.dma_semaphore, #tpu.memory_space<semaphore_mem>>) src(%dma_wait3A_42 : memref<40xi32, #tpu.memory_space<hbm>>) dst(%arg16 : memref<40xi32, #tpu.memory_space<vmem>>)
      tpu.yield
    }) : () -> ()
    %dma_start3A_16 = arith.constant 0 : i32
    %dma_start3A_17 = arith.constant 0 : i32
    %dma_start3A_18 = tpu.memref_slice %arg2[%dma_start3A_16, %dma_start3A_17] : memref<10000x144xf32, #tpu.memory_space<hbm>> -> memref<10000x144xf32, #tpu.memory_space<hbm>>
    tpu.enqueue_indirect_dma source(%dma_start3A_18 : memref<10000x144xf32, #tpu.memory_space<hbm>>) target(%arg17 : memref<40x144xf32, #tpu.memory_space<vmem>>) offsets(%arg15 : memref<40xi32, #tpu.memory_space<vmem>>) semaphore(%arg22 : memref<!tpu.dma_semaphore, #tpu.memory_space<semaphore_mem>>)
    %dma_start3A_19 = arith.constant 0 : i32
    %dma_start3A_20 = arith.constant 0 : i32
    %dma_start3A_21 = tpu.memref_slice %arg3[%dma_start3A_19, %dma_start3A_20] : memref<10000x16xf32, #tpu.memory_space<hbm>> -> memref<10000x16xf32, #tpu.memory_space<hbm>>
    tpu.enqueue_indirect_dma source(%dma_start3A_21 : memref<10000x16xf32, #tpu.memory_space<hbm>>) target(%arg18 : memref<40x16xf32, #tpu.memory_space<vmem>>) offsets(%arg16 : memref<40xi32, #tpu.memory_space<vmem>>) semaphore(%arg22 : memref<!tpu.dma_semaphore, #tpu.memory_space<semaphore_mem>>)
    %scan3A = arith.constant 0 : i32
    %scan3A_22 = arith.constant 0 : i32
    %scan3A_23 = arith.constant 125 : i32
    %scan3A_24 = arith.addi %scan3A_22, %scan3A_23 : i32
    %scan3A_25 = arith.constant 1 : i32
    scf.for %scan3A_39 = %scan3A_22 to %scan3A_24 step %scan3A_25  : i32 {
      %mul3A_40 = arith.constant 2 : i32
      %mul3A_41 = arith.muli %mul3A_40, %scan3A_39 : i32
      %dma_wait3A_42 = arith.constant 0 : i32
      %dma_wait3A_43 = arith.constant 0 : i32
      %dma_wait3A_44 = tpu.memref_slice %arg2[%dma_wait3A_42, %dma_wait3A_43] : memref<10000x144xf32, #tpu.memory_space<hbm>> -> memref<10000x144xf32, #tpu.memory_space<hbm>>
      tpu.wait_indirect_dma semaphore(%arg21 : memref<!tpu.dma_semaphore, #tpu.memory_space<semaphore_mem>>) src(%dma_wait3A_44 : memref<10000x144xf32, #tpu.memory_space<hbm>>) dst(%arg11 : memref<40x144xf32, #tpu.memory_space<vmem>>)
      %dma_wait3A_45 = arith.constant 0 : i32
      %dma_wait3A_46 = arith.constant 0 : i32
      %dma_wait3A_47 = tpu.memref_slice %arg3[%dma_wait3A_45, %dma_wait3A_46] : memref<10000x16xf32, #tpu.memory_space<hbm>> -> memref<10000x16xf32, #tpu.memory_space<hbm>>
      tpu.wait_indirect_dma semaphore(%arg21 : memref<!tpu.dma_semaphore, #tpu.memory_space<semaphore_mem>>) src(%dma_wait3A_47 : memref<10000x16xf32, #tpu.memory_space<hbm>>) dst(%arg12 : memref<40x16xf32, #tpu.memory_space<vmem>>)
      %dma_wait3A_48 = arith.constant 0 : i32
      %dma_wait3A_49 = arith.constant 0 : i32
      %dma_wait3A_50 = tpu.memref_slice %arg2[%dma_wait3A_48, %dma_wait3A_49] : memref<10000x144xf32, #tpu.memory_space<hbm>> -> memref<10000x144xf32, #tpu.memory_space<hbm>>
      tpu.wait_indirect_dma semaphore(%arg22 : memref<!tpu.dma_semaphore, #tpu.memory_space<semaphore_mem>>) src(%dma_wait3A_50 : memref<10000x144xf32, #tpu.memory_space<hbm>>) dst(%arg17 : memref<40x144xf32, #tpu.memory_space<vmem>>)
      %dma_wait3A_51 = arith.constant 0 : i32
      %dma_wait3A_52 = arith.constant 0 : i32
      %dma_wait3A_53 = tpu.memref_slice %arg3[%dma_wait3A_51, %dma_wait3A_52] : memref<10000x16xf32, #tpu.memory_space<hbm>> -> memref<10000x16xf32, #tpu.memory_space<hbm>>
      tpu.wait_indirect_dma semaphore(%arg22 : memref<!tpu.dma_semaphore, #tpu.memory_space<semaphore_mem>>) src(%dma_wait3A_53 : memref<10000x16xf32, #tpu.memory_space<hbm>>) dst(%arg18 : memref<40x16xf32, #tpu.memory_space<vmem>>)
      "tpu.region"() ({
        %run_scoped3A = tpu.sem_alloc : memref<!tpu.dma_semaphore, #tpu.memory_space<semaphore_mem>>
        %dma_start3A_76 = arith.constant 0 : i32
        %dma_start3A_77 = arith.constant 0 : i32
        %dma_start3A_78 = tpu.memref_slice %arg8[%dma_start3A_76, %dma_start3A_77] : memref<10000x144xf32, #tpu.memory_space<vmem_shared>> -> memref<10000x144xf32, #tpu.memory_space<vmem_shared>>
        tpu.enqueue_indirect_dma source(%arg13 : memref<40x144xf32, #tpu.memory_space<vmem>>) target(%dma_start3A_78 : memref<10000x144xf32, #tpu.memory_space<vmem_shared>>) offsets(%arg10 : memref<40xi32, #tpu.memory_space<vmem>>) semaphore(%run_scoped3A : memref<!tpu.dma_semaphore, #tpu.memory_space<semaphore_mem>>) {add = true}
        %dma_wait3A_79 = arith.constant 0 : i32
        %dma_wait3A_80 = arith.constant 0 : i32
        %dma_wait3A_81 = tpu.memref_slice %arg8[%dma_wait3A_79, %dma_wait3A_80] : memref<10000x144xf32, #tpu.memory_space<vmem_shared>> -> memref<10000x144xf32, #tpu.memory_space<vmem_shared>>
        tpu.wait_indirect_dma semaphore(%run_scoped3A : memref<!tpu.dma_semaphore, #tpu.memory_space<semaphore_mem>>) src(%arg13 : memref<40x144xf32, #tpu.memory_space<vmem>>) dst(%dma_wait3A_81 : memref<10000x144xf32, #tpu.memory_space<vmem_shared>>)
        tpu.yield
      }) : () -> ()
      "tpu.region"() ({
        %run_scoped3A = tpu.sem_alloc : memref<!tpu.dma_semaphore, #tpu.memory_space<semaphore_mem>>
        %dma_start3A_76 = arith.constant 0 : i32
        %dma_start3A_77 = arith.constant 0 : i32
        %dma_start3A_78 = tpu.memref_slice %arg8[%dma_start3A_76, %dma_start3A_77] : memref<10000x144xf32, #tpu.memory_space<vmem_shared>> -> memref<10000x144xf32, #tpu.memory_space<vmem_shared>>
        tpu.enqueue_indirect_dma source(%arg19 : memref<40x144xf32, #tpu.memory_space<vmem>>) target(%dma_start3A_78 : memref<10000x144xf32, #tpu.memory_space<vmem_shared>>) offsets(%arg16 : memref<40xi32, #tpu.memory_space<vmem>>) semaphore(%run_scoped3A : memref<!tpu.dma_semaphore, #tpu.memory_space<semaphore_mem>>) {add = true}
        %dma_wait3A_79 = arith.constant 0 : i32
        %dma_wait3A_80 = arith.constant 0 : i32
        %dma_wait3A_81 = tpu.memref_slice %arg8[%dma_wait3A_79, %dma_wait3A_80] : memref<10000x144xf32, #tpu.memory_space<vmem_shared>> -> memref<10000x144xf32, #tpu.memory_space<vmem_shared>>
        tpu.wait_indirect_dma semaphore(%run_scoped3A : memref<!tpu.dma_semaphore, #tpu.memory_space<semaphore_mem>>) src(%arg19 : memref<40x144xf32, #tpu.memory_space<vmem>>) dst(%dma_wait3A_81 : memref<10000x144xf32, #tpu.memory_space<vmem_shared>>)
        tpu.yield
      }) : () -> ()
      %add3A_54 = arith.constant 2 : i32
      %add3A_55 = arith.addi %mul3A_41, %add3A_54 : i32
      %mul3A_56 = arith.constant 40 : i32
      %mul3A_57 = arith.muli %add3A_55, %mul3A_56 : i32
      %add3A_58 = arith.addi %mul3A_6, %mul3A_57 : i32
      "tpu.region"() ({
        %run_scoped3A = tpu.sem_alloc : memref<!tpu.dma_semaphore, #tpu.memory_space<semaphore_mem>>
        %dma_start3A_76 = tpu.memref_slice %arg4[%add3A_58] : memref<320080xi32, #tpu.memory_space<hbm>> -> memref<40xi32, #tpu.memory_space<hbm>>
        %dma_start3A_77 = tpu.memref_slice %arg4[%add3A_58] : memref<320080xi32, #tpu.memory_space<hbm>> -> memref<40xi32, #tpu.memory_space<hbm>>
        tpu.enqueue_dma source(%dma_start3A_77 : memref<40xi32, #tpu.memory_space<hbm>>) target(%arg9 : memref<40xi32, #tpu.memory_space<vmem>>) target_semaphore(%run_scoped3A : memref<!tpu.dma_semaphore, #tpu.memory_space<semaphore_mem>>)
        %dma_wait3A_78 = tpu.memref_slice %arg4[%add3A_58] : memref<320080xi32, #tpu.memory_space<hbm>> -> memref<40xi32, #tpu.memory_space<hbm>>
        %dma_wait3A_79 = tpu.memref_slice %arg4[%add3A_58] : memref<320080xi32, #tpu.memory_space<hbm>> -> memref<40xi32, #tpu.memory_space<hbm>>
        tpu.wait_dma2 semaphore(%run_scoped3A : memref<!tpu.dma_semaphore, #tpu.memory_space<semaphore_mem>>) src(%dma_wait3A_79 : memref<40xi32, #tpu.memory_space<hbm>>) dst(%arg9 : memref<40xi32, #tpu.memory_space<vmem>>)
        tpu.yield
      }) : () -> ()
      "tpu.region"() ({
        %run_scoped3A = tpu.sem_alloc : memref<!tpu.dma_semaphore, #tpu.memory_space<semaphore_mem>>
        %dma_start3A_76 = tpu.memref_slice %arg5[%add3A_58] : memref<320080xi32, #tpu.memory_space<hbm>> -> memref<40xi32, #tpu.memory_space<hbm>>
        %dma_start3A_77 = tpu.memref_slice %arg5[%add3A_58] : memref<320080xi32, #tpu.memory_space<hbm>> -> memref<40xi32, #tpu.memory_space<hbm>>
        tpu.enqueue_dma source(%dma_start3A_77 : memref<40xi32, #tpu.memory_space<hbm>>) target(%arg10 : memref<40xi32, #tpu.memory_space<vmem>>) target_semaphore(%run_scoped3A : memref<!tpu.dma_semaphore, #tpu.memory_space<semaphore_mem>>)
        %dma_wait3A_78 = tpu.memref_slice %arg5[%add3A_58] : memref<320080xi32, #tpu.memory_space<hbm>> -> memref<40xi32, #tpu.memory_space<hbm>>
        %dma_wait3A_79 = tpu.memref_slice %arg5[%add3A_58] : memref<320080xi32, #tpu.memory_space<hbm>> -> memref<40xi32, #tpu.memory_space<hbm>>
        tpu.wait_dma2 semaphore(%run_scoped3A : memref<!tpu.dma_semaphore, #tpu.memory_space<semaphore_mem>>) src(%dma_wait3A_79 : memref<40xi32, #tpu.memory_space<hbm>>) dst(%arg10 : memref<40xi32, #tpu.memory_space<vmem>>)
        tpu.yield
      }) : () -> ()
      %dma_start3A_59 = arith.constant 0 : i32
      %dma_start3A_60 = arith.constant 0 : i32
      %dma_start3A_61 = tpu.memref_slice %arg2[%dma_start3A_59, %dma_start3A_60] : memref<10000x144xf32, #tpu.memory_space<hbm>> -> memref<10000x144xf32, #tpu.memory_space<hbm>>
      tpu.enqueue_indirect_dma source(%dma_start3A_61 : memref<10000x144xf32, #tpu.memory_space<hbm>>) target(%arg11 : memref<40x144xf32, #tpu.memory_space<vmem>>) offsets(%arg9 : memref<40xi32, #tpu.memory_space<vmem>>) semaphore(%arg21 : memref<!tpu.dma_semaphore, #tpu.memory_space<semaphore_mem>>)
      %dma_start3A_62 = arith.constant 0 : i32
      %dma_start3A_63 = arith.constant 0 : i32
      %dma_start3A_64 = tpu.memref_slice %arg3[%dma_start3A_62, %dma_start3A_63] : memref<10000x16xf32, #tpu.memory_space<hbm>> -> memref<10000x16xf32, #tpu.memory_space<hbm>>
      tpu.enqueue_indirect_dma source(%dma_start3A_64 : memref<10000x16xf32, #tpu.memory_space<hbm>>) target(%arg12 : memref<40x16xf32, #tpu.memory_space<vmem>>) offsets(%arg10 : memref<40xi32, #tpu.memory_space<vmem>>) semaphore(%arg21 : memref<!tpu.dma_semaphore, #tpu.memory_space<semaphore_mem>>)
      %add3A_65 = arith.constant 3 : i32
      %add3A_66 = arith.addi %mul3A_41, %add3A_65 : i32
      %mul3A_67 = arith.constant 40 : i32
      %mul3A_68 = arith.muli %add3A_66, %mul3A_67 : i32
      %add3A_69 = arith.addi %mul3A_6, %mul3A_68 : i32
      "tpu.region"() ({
        %run_scoped3A = tpu.sem_alloc : memref<!tpu.dma_semaphore, #tpu.memory_space<semaphore_mem>>
        %dma_start3A_76 = tpu.memref_slice %arg4[%add3A_69] : memref<320080xi32, #tpu.memory_space<hbm>> -> memref<40xi32, #tpu.memory_space<hbm>>
        %dma_start3A_77 = tpu.memref_slice %arg4[%add3A_69] : memref<320080xi32, #tpu.memory_space<hbm>> -> memref<40xi32, #tpu.memory_space<hbm>>
        tpu.enqueue_dma source(%dma_start3A_77 : memref<40xi32, #tpu.memory_space<hbm>>) target(%arg15 : memref<40xi32, #tpu.memory_space<vmem>>) target_semaphore(%run_scoped3A : memref<!tpu.dma_semaphore, #tpu.memory_space<semaphore_mem>>)
        %dma_wait3A_78 = tpu.memref_slice %arg4[%add3A_69] : memref<320080xi32, #tpu.memory_space<hbm>> -> memref<40xi32, #tpu.memory_space<hbm>>
        %dma_wait3A_79 = tpu.memref_slice %arg4[%add3A_69] : memref<320080xi32, #tpu.memory_space<hbm>> -> memref<40xi32, #tpu.memory_space<hbm>>
        tpu.wait_dma2 semaphore(%run_scoped3A : memref<!tpu.dma_semaphore, #tpu.memory_space<semaphore_mem>>) src(%dma_wait3A_79 : memref<40xi32, #tpu.memory_space<hbm>>) dst(%arg15 : memref<40xi32, #tpu.memory_space<vmem>>)
        tpu.yield
      }) : () -> ()
      "tpu.region"() ({
        %run_scoped3A = tpu.sem_alloc : memref<!tpu.dma_semaphore, #tpu.memory_space<semaphore_mem>>
        %dma_start3A_76 = tpu.memref_slice %arg5[%add3A_69] : memref<320080xi32, #tpu.memory_space<hbm>> -> memref<40xi32, #tpu.memory_space<hbm>>
        %dma_start3A_77 = tpu.memref_slice %arg5[%add3A_69] : memref<320080xi32, #tpu.memory_space<hbm>> -> memref<40xi32, #tpu.memory_space<hbm>>
        tpu.enqueue_dma source(%dma_start3A_77 : memref<40xi32, #tpu.memory_space<hbm>>) target(%arg16 : memref<40xi32, #tpu.memory_space<vmem>>) target_semaphore(%run_scoped3A : memref<!tpu.dma_semaphore, #tpu.memory_space<semaphore_mem>>)
        %dma_wait3A_78 = tpu.memref_slice %arg5[%add3A_69] : memref<320080xi32, #tpu.memory_space<hbm>> -> memref<40xi32, #tpu.memory_space<hbm>>
        %dma_wait3A_79 = tpu.memref_slice %arg5[%add3A_69] : memref<320080xi32, #tpu.memory_space<hbm>> -> memref<40xi32, #tpu.memory_space<hbm>>
        tpu.wait_dma2 semaphore(%run_scoped3A : memref<!tpu.dma_semaphore, #tpu.memory_space<semaphore_mem>>) src(%dma_wait3A_79 : memref<40xi32, #tpu.memory_space<hbm>>) dst(%arg16 : memref<40xi32, #tpu.memory_space<vmem>>)
        tpu.yield
      }) : () -> ()
      %dma_start3A_70 = arith.constant 0 : i32
      %dma_start3A_71 = arith.constant 0 : i32
      %dma_start3A_72 = tpu.memref_slice %arg2[%dma_start3A_70, %dma_start3A_71] : memref<10000x144xf32, #tpu.memory_space<hbm>> -> memref<10000x144xf32, #tpu.memory_space<hbm>>
      tpu.enqueue_indirect_dma source(%dma_start3A_72 : memref<10000x144xf32, #tpu.memory_space<hbm>>) target(%arg17 : memref<40x144xf32, #tpu.memory_space<vmem>>) offsets(%arg15 : memref<40xi32, #tpu.memory_space<vmem>>) semaphore(%arg22 : memref<!tpu.dma_semaphore, #tpu.memory_space<semaphore_mem>>)
      %dma_start3A_73 = arith.constant 0 : i32
      %dma_start3A_74 = arith.constant 0 : i32
      %dma_start3A_75 = tpu.memref_slice %arg3[%dma_start3A_73, %dma_start3A_74] : memref<10000x16xf32, #tpu.memory_space<hbm>> -> memref<10000x16xf32, #tpu.memory_space<hbm>>
      tpu.enqueue_indirect_dma source(%dma_start3A_75 : memref<10000x16xf32, #tpu.memory_space<hbm>>) target(%arg18 : memref<40x16xf32, #tpu.memory_space<vmem>>) offsets(%arg16 : memref<40xi32, #tpu.memory_space<vmem>>) semaphore(%arg22 : memref<!tpu.dma_semaphore, #tpu.memory_space<semaphore_mem>>)
    }
    %scan3A_26 = arith.constant 125 : i32
    %dma_wait3A = arith.constant 0 : i32
    %dma_wait3A_27 = arith.constant 0 : i32
    %dma_wait3A_28 = tpu.memref_slice %arg2[%dma_wait3A, %dma_wait3A_27] : memref<10000x144xf32, #tpu.memory_space<hbm>> -> memref<10000x144xf32, #tpu.memory_space<hbm>>
    tpu.wait_indirect_dma semaphore(%arg21 : memref<!tpu.dma_semaphore, #tpu.memory_space<semaphore_mem>>) src(%dma_wait3A_28 : memref<10000x144xf32, #tpu.memory_space<hbm>>) dst(%arg11 : memref<40x144xf32, #tpu.memory_space<vmem>>)
    %dma_wait3A_29 = arith.constant 0 : i32
    %dma_wait3A_30 = arith.constant 0 : i32
    %dma_wait3A_31 = tpu.memref_slice %arg3[%dma_wait3A_29, %dma_wait3A_30] : memref<10000x16xf32, #tpu.memory_space<hbm>> -> memref<10000x16xf32, #tpu.memory_space<hbm>>
    tpu.wait_indirect_dma semaphore(%arg21 : memref<!tpu.dma_semaphore, #tpu.memory_space<semaphore_mem>>) src(%dma_wait3A_31 : memref<10000x16xf32, #tpu.memory_space<hbm>>) dst(%arg12 : memref<40x16xf32, #tpu.memory_space<vmem>>)
    %dma_wait3A_32 = arith.constant 0 : i32
    %dma_wait3A_33 = arith.constant 0 : i32
    %dma_wait3A_34 = tpu.memref_slice %arg2[%dma_wait3A_32, %dma_wait3A_33] : memref<10000x144xf32, #tpu.memory_space<hbm>> -> memref<10000x144xf32, #tpu.memory_space<hbm>>
    tpu.wait_indirect_dma semaphore(%arg22 : memref<!tpu.dma_semaphore, #tpu.memory_space<semaphore_mem>>) src(%dma_wait3A_34 : memref<10000x144xf32, #tpu.memory_space<hbm>>) dst(%arg17 : memref<40x144xf32, #tpu.memory_space<vmem>>)
    %dma_wait3A_35 = arith.constant 0 : i32
    %dma_wait3A_36 = arith.constant 0 : i32
    %dma_wait3A_37 = tpu.memref_slice %arg3[%dma_wait3A_35, %dma_wait3A_36] : memref<10000x16xf32, #tpu.memory_space<hbm>> -> memref<10000x16xf32, #tpu.memory_space<hbm>>
    tpu.wait_indirect_dma semaphore(%arg22 : memref<!tpu.dma_semaphore, #tpu.memory_space<semaphore_mem>>) src(%dma_wait3A_37 : memref<10000x16xf32, #tpu.memory_space<hbm>>) dst(%arg18 : memref<40x16xf32, #tpu.memory_space<vmem>>)
    %barrier3A_38 = arith.constant 0 : index
    tpu.barrier barrier_id(%barrier3A_38)
    "tpu.region"() ({
      %run_scoped3A = tpu.sem_alloc : memref<!tpu.dma_semaphore, #tpu.memory_space<semaphore_mem>>
      %dma_start3A_39 = arith.constant 0 : i32
      %dma_start3A_40 = tpu.memref_slice %arg7[%arg0, %mul3A_2, %dma_start3A_39] : memref<2x10000x144xf32, #tpu.memory_space<hbm>> -> memref<1x625x144xf32, #tpu.memory_space<hbm>>
      %dma_start3A_41 = tpu.memref_squeeze %dma_start3A_40 : memref<1x625x144xf32, #tpu.memory_space<hbm>> -> memref<625x144xf32, #tpu.memory_space<hbm>>
      %dma_start3A_42 = arith.constant 0 : i32
      %dma_start3A_43 = tpu.memref_slice %arg8[%mul3A_2, %dma_start3A_42] : memref<10000x144xf32, #tpu.memory_space<vmem_shared>> -> memref<625x144xf32, #tpu.memory_space<vmem_shared>>
      tpu.enqueue_dma source(%dma_start3A_43 : memref<625x144xf32, #tpu.memory_space<vmem_shared>>) target(%dma_start3A_41 : memref<625x144xf32, #tpu.memory_space<hbm>>) target_semaphore(%run_scoped3A : memref<!tpu.dma_semaphore, #tpu.memory_space<semaphore_mem>>)
      %dma_wait3A_44 = arith.constant 0 : i32
      %dma_wait3A_45 = tpu.memref_slice %arg7[%arg0, %mul3A_2, %dma_wait3A_44] : memref<2x10000x144xf32, #tpu.memory_space<hbm>> -> memref<1x625x144xf32, #tpu.memory_space<hbm>>
      %dma_wait3A_46 = tpu.memref_squeeze %dma_wait3A_45 : memref<1x625x144xf32, #tpu.memory_space<hbm>> -> memref<625x144xf32, #tpu.memory_space<hbm>>
      %dma_wait3A_47 = arith.constant 0 : i32
      %dma_wait3A_48 = tpu.memref_slice %arg8[%mul3A_2, %dma_wait3A_47] : memref<10000x144xf32, #tpu.memory_space<vmem_shared>> -> memref<625x144xf32, #tpu.memory_space<vmem_shared>>
      tpu.wait_dma2 semaphore(%run_scoped3A : memref<!tpu.dma_semaphore, #tpu.memory_space<semaphore_mem>>) src(%dma_wait3A_48 : memref<625x144xf32, #tpu.memory_space<vmem_shared>>) dst(%dma_wait3A_46 : memref<625x144xf32, #tpu.memory_space<hbm>>)
      tpu.yield
    }) : () -> ()
    return
  }
}

#map = affine_map<(d0, d1) -> (0, 0)>
#map1 = affine_map<(d0, d1) -> (0)>
#map2 = affine_map<(d0, d1) -> (0, 0, 0)>
module attributes {stable_mosaic.version = 14 : i64} {
  func.func @_edge_body(%arg0: i32, %arg1: i32, %arg2: memref<10000x144xf32, #tpu.memory_space<hbm>>, %arg3: memref<10000x16xf32, #tpu.memory_space<hbm>>, %arg4: memref<320080xi32, #tpu.memory_space<hbm>>, %arg5: memref<320080xi32, #tpu.memory_space<hbm>>, %arg6: memref<2x10000x144xf32, #tpu.memory_space<hbm>>, %arg7: memref<2x10000x144xf32, #tpu.memory_space<hbm>>, %arg8: memref<10000x144xf32, #tpu.memory_space<vmem_shared>>, %arg9: memref<40xi32, #tpu.memory_space<vmem>>, %arg10: memref<40xi32, #tpu.memory_space<vmem>>, %arg11: memref<40x144xf32, #tpu.memory_space<vmem>>, %arg12: memref<40x16xf32, #tpu.memory_space<vmem>>, %arg13: memref<40x144xf32, #tpu.memory_space<vmem>>, %arg14: memref<40xi32, #tpu.memory_space<vmem>>, %arg15: memref<40xi32, #tpu.memory_space<vmem>>, %arg16: memref<40xi32, #tpu.memory_space<vmem>>, %arg17: memref<40x144xf32, #tpu.memory_space<vmem>>, %arg18: memref<40x16xf32, #tpu.memory_space<vmem>>, %arg19: memref<40x144xf32, #tpu.memory_space<vmem>>, %arg20: memref<40xi32, #tpu.memory_space<vmem>>, %arg21: memref<!tpu.dma_semaphore, #tpu.memory_space<semaphore_mem>>, %arg22: memref<!tpu.dma_semaphore, #tpu.memory_space<semaphore_mem>>, %arg23: memref<!tpu.dma_semaphore, #tpu.memory_space<semaphore_mem>>, %arg24: memref<!tpu.dma_semaphore, #tpu.memory_space<semaphore_mem>>) attributes {dimension_semantics = [#tpu.dimension_semantics<core_parallel>, #tpu.dimension_semantics<subcore_parallel>], iteration_bounds = array<i64: 2, 16>, scalar_prefetch = 0 : i64, scratch_operands = 17 : i64, tpu.core_type = #tpu.core_type<sc_vector_subcore>, window_params = [{transform_indices = #map}, {transform_indices = #map}, {transform_indices = #map1}, {transform_indices = #map1}, {transform_indices = #map2}, {transform_indices = #map2}]} {
    %mul3A = arith.constant 16 : i32
    %mul3A_0 = arith.muli %arg0, %mul3A : i32
    %add3A = arith.addi %mul3A_0, %arg1 : i32
    %mul3A_1 = arith.constant 625 : i32
    %mul3A_2 = arith.muli %arg1, %mul3A_1 : i32
    "tpu.region"() ({
      %run_scoped3A = tpu.sem_alloc : memref<!tpu.dma_semaphore, #tpu.memory_space<semaphore_mem>>
      %dma_start3A_39 = arith.constant 0 : i32
      %dma_start3A_40 = tpu.memref_slice %arg8[%mul3A_2, %dma_start3A_39] : memref<10000x144xf32, #tpu.memory_space<vmem_shared>> -> memref<625x144xf32, #tpu.memory_space<vmem_shared>>
      %dma_start3A_41 = arith.constant 0 : i32
      %dma_start3A_42 = tpu.memref_slice %arg6[%arg0, %mul3A_2, %dma_start3A_41] : memref<2x10000x144xf32, #tpu.memory_space<hbm>> -> memref<1x625x144xf32, #tpu.memory_space<hbm>>
      %dma_start3A_43 = tpu.memref_squeeze %dma_start3A_42 : memref<1x625x144xf32, #tpu.memory_space<hbm>> -> memref<625x144xf32, #tpu.memory_space<hbm>>
      tpu.enqueue_dma source(%dma_start3A_43 : memref<625x144xf32, #tpu.memory_space<hbm>>) target(%dma_start3A_40 : memref<625x144xf32, #tpu.memory_space<vmem_shared>>) target_semaphore(%run_scoped3A : memref<!tpu.dma_semaphore, #tpu.memory_space<semaphore_mem>>)
      %dma_wait3A_44 = arith.constant 0 : i32
      %dma_wait3A_45 = tpu.memref_slice %arg8[%mul3A_2, %dma_wait3A_44] : memref<10000x144xf32, #tpu.memory_space<vmem_shared>> -> memref<625x144xf32, #tpu.memory_space<vmem_shared>>
      %dma_wait3A_46 = arith.constant 0 : i32
      %dma_wait3A_47 = tpu.memref_slice %arg6[%arg0, %mul3A_2, %dma_wait3A_46] : memref<2x10000x144xf32, #tpu.memory_space<hbm>> -> memref<1x625x144xf32, #tpu.memory_space<hbm>>
      %dma_wait3A_48 = tpu.memref_squeeze %dma_wait3A_47 : memref<1x625x144xf32, #tpu.memory_space<hbm>> -> memref<625x144xf32, #tpu.memory_space<hbm>>
      tpu.wait_dma2 semaphore(%run_scoped3A : memref<!tpu.dma_semaphore, #tpu.memory_space<semaphore_mem>>) src(%dma_wait3A_48 : memref<625x144xf32, #tpu.memory_space<hbm>>) dst(%dma_wait3A_45 : memref<625x144xf32, #tpu.memory_space<vmem_shared>>)
      tpu.yield
    }) : () -> ()
    %barrier3A = arith.constant 0 : index
    tpu.barrier barrier_id(%barrier3A)
    %mul3A_3 = arith.constant 250 : i32
    %mul3A_4 = arith.muli %add3A, %mul3A_3 : i32
    %mul3A_5 = arith.constant 40 : i32
    %mul3A_6 = arith.muli %mul3A_4, %mul3A_5 : i32
    %add3A_7 = arith.constant 0 : i32
    %add3A_8 = arith.addi %mul3A_6, %add3A_7 : i32
    "tpu.region"() ({
      %run_scoped3A = tpu.sem_alloc : memref<!tpu.dma_semaphore, #tpu.memory_space<semaphore_mem>>
      %dma_start3A_39 = tpu.memref_slice %arg4[%add3A_8] : memref<320080xi32, #tpu.memory_space<hbm>> -> memref<40xi32, #tpu.memory_space<hbm>>
      %dma_start3A_40 = tpu.memref_slice %arg4[%add3A_8] : memref<320080xi32, #tpu.memory_space<hbm>> -> memref<40xi32, #tpu.memory_space<hbm>>
      tpu.enqueue_dma source(%dma_start3A_40 : memref<40xi32, #tpu.memory_space<hbm>>) target(%arg9 : memref<40xi32, #tpu.memory_space<vmem>>) target_semaphore(%run_scoped3A : memref<!tpu.dma_semaphore, #tpu.memory_space<semaphore_mem>>)
      %dma_wait3A_41 = tpu.memref_slice %arg4[%add3A_8] : memref<320080xi32, #tpu.memory_space<hbm>> -> memref<40xi32, #tpu.memory_space<hbm>>
      %dma_wait3A_42 = tpu.memref_slice %arg4[%add3A_8] : memref<320080xi32, #tpu.memory_space<hbm>> -> memref<40xi32, #tpu.memory_space<hbm>>
      tpu.wait_dma2 semaphore(%run_scoped3A : memref<!tpu.dma_semaphore, #tpu.memory_space<semaphore_mem>>) src(%dma_wait3A_42 : memref<40xi32, #tpu.memory_space<hbm>>) dst(%arg9 : memref<40xi32, #tpu.memory_space<vmem>>)
      tpu.yield
    }) : () -> ()
    "tpu.region"() ({
      %run_scoped3A = tpu.sem_alloc : memref<!tpu.dma_semaphore, #tpu.memory_space<semaphore_mem>>
      %dma_start3A_39 = tpu.memref_slice %arg5[%add3A_8] : memref<320080xi32, #tpu.memory_space<hbm>> -> memref<40xi32, #tpu.memory_space<hbm>>
      %dma_start3A_40 = tpu.memref_slice %arg5[%add3A_8] : memref<320080xi32, #tpu.memory_space<hbm>> -> memref<40xi32, #tpu.memory_space<hbm>>
      tpu.enqueue_dma source(%dma_start3A_40 : memref<40xi32, #tpu.memory_space<hbm>>) target(%arg10 : memref<40xi32, #tpu.memory_space<vmem>>) target_semaphore(%run_scoped3A : memref<!tpu.dma_semaphore, #tpu.memory_space<semaphore_mem>>)
      %dma_wait3A_41 = tpu.memref_slice %arg5[%add3A_8] : memref<320080xi32, #tpu.memory_space<hbm>> -> memref<40xi32, #tpu.memory_space<hbm>>
      %dma_wait3A_42 = tpu.memref_slice %arg5[%add3A_8] : memref<320080xi32, #tpu.memory_space<hbm>> -> memref<40xi32, #tpu.memory_space<hbm>>
      tpu.wait_dma2 semaphore(%run_scoped3A : memref<!tpu.dma_semaphore, #tpu.memory_space<semaphore_mem>>) src(%dma_wait3A_42 : memref<40xi32, #tpu.memory_space<hbm>>) dst(%arg10 : memref<40xi32, #tpu.memory_space<vmem>>)
      tpu.yield
    }) : () -> ()
    %dma_start3A = arith.constant 0 : i32
    %dma_start3A_9 = arith.constant 0 : i32
    %dma_start3A_10 = tpu.memref_slice %arg2[%dma_start3A, %dma_start3A_9] : memref<10000x144xf32, #tpu.memory_space<hbm>> -> memref<10000x144xf32, #tpu.memory_space<hbm>>
    tpu.enqueue_indirect_dma source(%dma_start3A_10 : memref<10000x144xf32, #tpu.memory_space<hbm>>) target(%arg11 : memref<40x144xf32, #tpu.memory_space<vmem>>) offsets(%arg9 : memref<40xi32, #tpu.memory_space<vmem>>) semaphore(%arg21 : memref<!tpu.dma_semaphore, #tpu.memory_space<semaphore_mem>>)
    %dma_start3A_11 = arith.constant 0 : i32
    %dma_start3A_12 = arith.constant 0 : i32
    %dma_start3A_13 = tpu.memref_slice %arg3[%dma_start3A_11, %dma_start3A_12] : memref<10000x16xf32, #tpu.memory_space<hbm>> -> memref<10000x16xf32, #tpu.memory_space<hbm>>
    tpu.enqueue_indirect_dma source(%dma_start3A_13 : memref<10000x16xf32, #tpu.memory_space<hbm>>) target(%arg12 : memref<40x16xf32, #tpu.memory_space<vmem>>) offsets(%arg10 : memref<40xi32, #tpu.memory_space<vmem>>) semaphore(%arg21 : memref<!tpu.dma_semaphore, #tpu.memory_space<semaphore_mem>>)
    %add3A_14 = arith.constant 40 : i32
    %add3A_15 = arith.addi %mul3A_6, %add3A_14 : i32
    "tpu.region"() ({
      %run_scoped3A = tpu.sem_alloc : memref<!tpu.dma_semaphore, #tpu.memory_space<semaphore_mem>>
      %dma_start3A_39 = tpu.memref_slice %arg4[%add3A_15] : memref<320080xi32, #tpu.memory_space<hbm>> -> memref<40xi32, #tpu.memory_space<hbm>>
      %dma_start3A_40 = tpu.memref_slice %arg4[%add3A_15] : memref<320080xi32, #tpu.memory_space<hbm>> -> memref<40xi32, #tpu.memory_space<hbm>>
      tpu.enqueue_dma source(%dma_start3A_40 : memref<40xi32, #tpu.memory_space<hbm>>) target(%arg15 : memref<40xi32, #tpu.memory_space<vmem>>) target_semaphore(%run_scoped3A : memref<!tpu.dma_semaphore, #tpu.memory_space<semaphore_mem>>)
      %dma_wait3A_41 = tpu.memref_slice %arg4[%add3A_15] : memref<320080xi32, #tpu.memory_space<hbm>> -> memref<40xi32, #tpu.memory_space<hbm>>
      %dma_wait3A_42 = tpu.memref_slice %arg4[%add3A_15] : memref<320080xi32, #tpu.memory_space<hbm>> -> memref<40xi32, #tpu.memory_space<hbm>>
      tpu.wait_dma2 semaphore(%run_scoped3A : memref<!tpu.dma_semaphore, #tpu.memory_space<semaphore_mem>>) src(%dma_wait3A_42 : memref<40xi32, #tpu.memory_space<hbm>>) dst(%arg15 : memref<40xi32, #tpu.memory_space<vmem>>)
      tpu.yield
    }) : () -> ()
    "tpu.region"() ({
      %run_scoped3A = tpu.sem_alloc : memref<!tpu.dma_semaphore, #tpu.memory_space<semaphore_mem>>
      %dma_start3A_39 = tpu.memref_slice %arg5[%add3A_15] : memref<320080xi32, #tpu.memory_space<hbm>> -> memref<40xi32, #tpu.memory_space<hbm>>
      %dma_start3A_40 = tpu.memref_slice %arg5[%add3A_15] : memref<320080xi32, #tpu.memory_space<hbm>> -> memref<40xi32, #tpu.memory_space<hbm>>
      tpu.enqueue_dma source(%dma_start3A_40 : memref<40xi32, #tpu.memory_space<hbm>>) target(%arg16 : memref<40xi32, #tpu.memory_space<vmem>>) target_semaphore(%run_scoped3A : memref<!tpu.dma_semaphore, #tpu.memory_space<semaphore_mem>>)
      %dma_wait3A_41 = tpu.memref_slice %arg5[%add3A_15] : memref<320080xi32, #tpu.memory_space<hbm>> -> memref<40xi32, #tpu.memory_space<hbm>>
      %dma_wait3A_42 = tpu.memref_slice %arg5[%add3A_15] : memref<320080xi32, #tpu.memory_space<hbm>> -> memref<40xi32, #tpu.memory_space<hbm>>
      tpu.wait_dma2 semaphore(%run_scoped3A : memref<!tpu.dma_semaphore, #tpu.memory_space<semaphore_mem>>) src(%dma_wait3A_42 : memref<40xi32, #tpu.memory_space<hbm>>) dst(%arg16 : memref<40xi32, #tpu.memory_space<vmem>>)
      tpu.yield
    }) : () -> ()
    %dma_start3A_16 = arith.constant 0 : i32
    %dma_start3A_17 = arith.constant 0 : i32
    %dma_start3A_18 = tpu.memref_slice %arg2[%dma_start3A_16, %dma_start3A_17] : memref<10000x144xf32, #tpu.memory_space<hbm>> -> memref<10000x144xf32, #tpu.memory_space<hbm>>
    tpu.enqueue_indirect_dma source(%dma_start3A_18 : memref<10000x144xf32, #tpu.memory_space<hbm>>) target(%arg17 : memref<40x144xf32, #tpu.memory_space<vmem>>) offsets(%arg15 : memref<40xi32, #tpu.memory_space<vmem>>) semaphore(%arg22 : memref<!tpu.dma_semaphore, #tpu.memory_space<semaphore_mem>>)
    %dma_start3A_19 = arith.constant 0 : i32
    %dma_start3A_20 = arith.constant 0 : i32
    %dma_start3A_21 = tpu.memref_slice %arg3[%dma_start3A_19, %dma_start3A_20] : memref<10000x16xf32, #tpu.memory_space<hbm>> -> memref<10000x16xf32, #tpu.memory_space<hbm>>
    tpu.enqueue_indirect_dma source(%dma_start3A_21 : memref<10000x16xf32, #tpu.memory_space<hbm>>) target(%arg18 : memref<40x16xf32, #tpu.memory_space<vmem>>) offsets(%arg16 : memref<40xi32, #tpu.memory_space<vmem>>) semaphore(%arg22 : memref<!tpu.dma_semaphore, #tpu.memory_space<semaphore_mem>>)
    %scan3A = arith.constant 0 : i32
    %scan3A_22 = arith.constant 0 : i32
    %scan3A_23 = arith.constant 125 : i32
    %scan3A_24 = arith.addi %scan3A_22, %scan3A_23 : i32
    %scan3A_25 = arith.constant 1 : i32
    scf.for %scan3A_39 = %scan3A_22 to %scan3A_24 step %scan3A_25  : i32 {
      %mul3A_40 = arith.constant 2 : i32
      %mul3A_41 = arith.muli %mul3A_40, %scan3A_39 : i32
      %dma_wait3A_42 = arith.constant 0 : i32
      %dma_wait3A_43 = arith.constant 0 : i32
      %dma_wait3A_44 = tpu.memref_slice %arg2[%dma_wait3A_42, %dma_wait3A_43] : memref<10000x144xf32, #tpu.memory_space<hbm>> -> memref<10000x144xf32, #tpu.memory_space<hbm>>
      tpu.wait_indirect_dma semaphore(%arg21 : memref<!tpu.dma_semaphore, #tpu.memory_space<semaphore_mem>>) src(%dma_wait3A_44 : memref<10000x144xf32, #tpu.memory_space<hbm>>) dst(%arg11 : memref<40x144xf32, #tpu.memory_space<vmem>>)
      %dma_wait3A_45 = arith.constant 0 : i32
      %dma_wait3A_46 = arith.constant 0 : i32
      %dma_wait3A_47 = tpu.memref_slice %arg3[%dma_wait3A_45, %dma_wait3A_46] : memref<10000x16xf32, #tpu.memory_space<hbm>> -> memref<10000x16xf32, #tpu.memory_space<hbm>>
      tpu.wait_indirect_dma semaphore(%arg21 : memref<!tpu.dma_semaphore, #tpu.memory_space<semaphore_mem>>) src(%dma_wait3A_47 : memref<10000x16xf32, #tpu.memory_space<hbm>>) dst(%arg12 : memref<40x16xf32, #tpu.memory_space<vmem>>)
      %dma_wait3A_48 = arith.constant 0 : i32
      %dma_wait3A_49 = arith.constant 0 : i32
      %dma_wait3A_50 = tpu.memref_slice %arg2[%dma_wait3A_48, %dma_wait3A_49] : memref<10000x144xf32, #tpu.memory_space<hbm>> -> memref<10000x144xf32, #tpu.memory_space<hbm>>
      tpu.wait_indirect_dma semaphore(%arg22 : memref<!tpu.dma_semaphore, #tpu.memory_space<semaphore_mem>>) src(%dma_wait3A_50 : memref<10000x144xf32, #tpu.memory_space<hbm>>) dst(%arg17 : memref<40x144xf32, #tpu.memory_space<vmem>>)
      %dma_wait3A_51 = arith.constant 0 : i32
      %dma_wait3A_52 = arith.constant 0 : i32
      %dma_wait3A_53 = tpu.memref_slice %arg3[%dma_wait3A_51, %dma_wait3A_52] : memref<10000x16xf32, #tpu.memory_space<hbm>> -> memref<10000x16xf32, #tpu.memory_space<hbm>>
      tpu.wait_indirect_dma semaphore(%arg22 : memref<!tpu.dma_semaphore, #tpu.memory_space<semaphore_mem>>) src(%dma_wait3A_53 : memref<10000x16xf32, #tpu.memory_space<hbm>>) dst(%arg18 : memref<40x16xf32, #tpu.memory_space<vmem>>)
      "tpu.region"() ({
        %run_scoped3A = tpu.sem_alloc : memref<!tpu.dma_semaphore, #tpu.memory_space<semaphore_mem>>
        %dma_start3A_76 = arith.constant 0 : i32
        %dma_start3A_77 = arith.constant 0 : i32
        %dma_start3A_78 = tpu.memref_slice %arg8[%dma_start3A_76, %dma_start3A_77] : memref<10000x144xf32, #tpu.memory_space<vmem_shared>> -> memref<10000x144xf32, #tpu.memory_space<vmem_shared>>
        tpu.enqueue_indirect_dma source(%arg13 : memref<40x144xf32, #tpu.memory_space<vmem>>) target(%dma_start3A_78 : memref<10000x144xf32, #tpu.memory_space<vmem_shared>>) offsets(%arg10 : memref<40xi32, #tpu.memory_space<vmem>>) semaphore(%run_scoped3A : memref<!tpu.dma_semaphore, #tpu.memory_space<semaphore_mem>>) {add = true}
        %dma_wait3A_79 = arith.constant 0 : i32
        %dma_wait3A_80 = arith.constant 0 : i32
        %dma_wait3A_81 = tpu.memref_slice %arg8[%dma_wait3A_79, %dma_wait3A_80] : memref<10000x144xf32, #tpu.memory_space<vmem_shared>> -> memref<10000x144xf32, #tpu.memory_space<vmem_shared>>
        tpu.wait_indirect_dma semaphore(%run_scoped3A : memref<!tpu.dma_semaphore, #tpu.memory_space<semaphore_mem>>) src(%arg13 : memref<40x144xf32, #tpu.memory_space<vmem>>) dst(%dma_wait3A_81 : memref<10000x144xf32, #tpu.memory_space<vmem_shared>>)
        tpu.yield
      }) : () -> ()
      "tpu.region"() ({
        %run_scoped3A = tpu.sem_alloc : memref<!tpu.dma_semaphore, #tpu.memory_space<semaphore_mem>>
        %dma_start3A_76 = arith.constant 0 : i32
        %dma_start3A_77 = arith.constant 0 : i32
        %dma_start3A_78 = tpu.memref_slice %arg8[%dma_start3A_76, %dma_start3A_77] : memref<10000x144xf32, #tpu.memory_space<vmem_shared>> -> memref<10000x144xf32, #tpu.memory_space<vmem_shared>>
        tpu.enqueue_indirect_dma source(%arg19 : memref<40x144xf32, #tpu.memory_space<vmem>>) target(%dma_start3A_78 : memref<10000x144xf32, #tpu.memory_space<vmem_shared>>) offsets(%arg16 : memref<40xi32, #tpu.memory_space<vmem>>) semaphore(%run_scoped3A : memref<!tpu.dma_semaphore, #tpu.memory_space<semaphore_mem>>) {add = true}
        %dma_wait3A_79 = arith.constant 0 : i32
        %dma_wait3A_80 = arith.constant 0 : i32
        %dma_wait3A_81 = tpu.memref_slice %arg8[%dma_wait3A_79, %dma_wait3A_80] : memref<10000x144xf32, #tpu.memory_space<vmem_shared>> -> memref<10000x144xf32, #tpu.memory_space<vmem_shared>>
        tpu.wait_indirect_dma semaphore(%run_scoped3A : memref<!tpu.dma_semaphore, #tpu.memory_space<semaphore_mem>>) src(%arg19 : memref<40x144xf32, #tpu.memory_space<vmem>>) dst(%dma_wait3A_81 : memref<10000x144xf32, #tpu.memory_space<vmem_shared>>)
        tpu.yield
      }) : () -> ()
      %add3A_54 = arith.constant 2 : i32
      %add3A_55 = arith.addi %mul3A_41, %add3A_54 : i32
      %mul3A_56 = arith.constant 40 : i32
      %mul3A_57 = arith.muli %add3A_55, %mul3A_56 : i32
      %add3A_58 = arith.addi %mul3A_6, %mul3A_57 : i32
      "tpu.region"() ({
        %run_scoped3A = tpu.sem_alloc : memref<!tpu.dma_semaphore, #tpu.memory_space<semaphore_mem>>
        %dma_start3A_76 = tpu.memref_slice %arg4[%add3A_58] : memref<320080xi32, #tpu.memory_space<hbm>> -> memref<40xi32, #tpu.memory_space<hbm>>
        %dma_start3A_77 = tpu.memref_slice %arg4[%add3A_58] : memref<320080xi32, #tpu.memory_space<hbm>> -> memref<40xi32, #tpu.memory_space<hbm>>
        tpu.enqueue_dma source(%dma_start3A_77 : memref<40xi32, #tpu.memory_space<hbm>>) target(%arg9 : memref<40xi32, #tpu.memory_space<vmem>>) target_semaphore(%run_scoped3A : memref<!tpu.dma_semaphore, #tpu.memory_space<semaphore_mem>>)
        %dma_wait3A_78 = tpu.memref_slice %arg4[%add3A_58] : memref<320080xi32, #tpu.memory_space<hbm>> -> memref<40xi32, #tpu.memory_space<hbm>>
        %dma_wait3A_79 = tpu.memref_slice %arg4[%add3A_58] : memref<320080xi32, #tpu.memory_space<hbm>> -> memref<40xi32, #tpu.memory_space<hbm>>
        tpu.wait_dma2 semaphore(%run_scoped3A : memref<!tpu.dma_semaphore, #tpu.memory_space<semaphore_mem>>) src(%dma_wait3A_79 : memref<40xi32, #tpu.memory_space<hbm>>) dst(%arg9 : memref<40xi32, #tpu.memory_space<vmem>>)
        tpu.yield
      }) : () -> ()
      "tpu.region"() ({
        %run_scoped3A = tpu.sem_alloc : memref<!tpu.dma_semaphore, #tpu.memory_space<semaphore_mem>>
        %dma_start3A_76 = tpu.memref_slice %arg5[%add3A_58] : memref<320080xi32, #tpu.memory_space<hbm>> -> memref<40xi32, #tpu.memory_space<hbm>>
        %dma_start3A_77 = tpu.memref_slice %arg5[%add3A_58] : memref<320080xi32, #tpu.memory_space<hbm>> -> memref<40xi32, #tpu.memory_space<hbm>>
        tpu.enqueue_dma source(%dma_start3A_77 : memref<40xi32, #tpu.memory_space<hbm>>) target(%arg10 : memref<40xi32, #tpu.memory_space<vmem>>) target_semaphore(%run_scoped3A : memref<!tpu.dma_semaphore, #tpu.memory_space<semaphore_mem>>)
        %dma_wait3A_78 = tpu.memref_slice %arg5[%add3A_58] : memref<320080xi32, #tpu.memory_space<hbm>> -> memref<40xi32, #tpu.memory_space<hbm>>
        %dma_wait3A_79 = tpu.memref_slice %arg5[%add3A_58] : memref<320080xi32, #tpu.memory_space<hbm>> -> memref<40xi32, #tpu.memory_space<hbm>>
        tpu.wait_dma2 semaphore(%run_scoped3A : memref<!tpu.dma_semaphore, #tpu.memory_space<semaphore_mem>>) src(%dma_wait3A_79 : memref<40xi32, #tpu.memory_space<hbm>>) dst(%arg10 : memref<40xi32, #tpu.memory_space<vmem>>)
        tpu.yield
      }) : () -> ()
      %dma_start3A_59 = arith.constant 0 : i32
      %dma_start3A_60 = arith.constant 0 : i32
      %dma_start3A_61 = tpu.memref_slice %arg2[%dma_start3A_59, %dma_start3A_60] : memref<10000x144xf32, #tpu.memory_space<hbm>> -> memref<10000x144xf32, #tpu.memory_space<hbm>>
      tpu.enqueue_indirect_dma source(%dma_start3A_61 : memref<10000x144xf32, #tpu.memory_space<hbm>>) target(%arg11 : memref<40x144xf32, #tpu.memory_space<vmem>>) offsets(%arg9 : memref<40xi32, #tpu.memory_space<vmem>>) semaphore(%arg21 : memref<!tpu.dma_semaphore, #tpu.memory_space<semaphore_mem>>)
      %dma_start3A_62 = arith.constant 0 : i32
      %dma_start3A_63 = arith.constant 0 : i32
      %dma_start3A_64 = tpu.memref_slice %arg3[%dma_start3A_62, %dma_start3A_63] : memref<10000x16xf32, #tpu.memory_space<hbm>> -> memref<10000x16xf32, #tpu.memory_space<hbm>>
      tpu.enqueue_indirect_dma source(%dma_start3A_64 : memref<10000x16xf32, #tpu.memory_space<hbm>>) target(%arg12 : memref<40x16xf32, #tpu.memory_space<vmem>>) offsets(%arg10 : memref<40xi32, #tpu.memory_space<vmem>>) semaphore(%arg21 : memref<!tpu.dma_semaphore, #tpu.memory_space<semaphore_mem>>)
      %add3A_65 = arith.constant 3 : i32
      %add3A_66 = arith.addi %mul3A_41, %add3A_65 : i32
      %mul3A_67 = arith.constant 40 : i32
      %mul3A_68 = arith.muli %add3A_66, %mul3A_67 : i32
      %add3A_69 = arith.addi %mul3A_6, %mul3A_68 : i32
      "tpu.region"() ({
        %run_scoped3A = tpu.sem_alloc : memref<!tpu.dma_semaphore, #tpu.memory_space<semaphore_mem>>
        %dma_start3A_76 = tpu.memref_slice %arg4[%add3A_69] : memref<320080xi32, #tpu.memory_space<hbm>> -> memref<40xi32, #tpu.memory_space<hbm>>
        %dma_start3A_77 = tpu.memref_slice %arg4[%add3A_69] : memref<320080xi32, #tpu.memory_space<hbm>> -> memref<40xi32, #tpu.memory_space<hbm>>
        tpu.enqueue_dma source(%dma_start3A_77 : memref<40xi32, #tpu.memory_space<hbm>>) target(%arg15 : memref<40xi32, #tpu.memory_space<vmem>>) target_semaphore(%run_scoped3A : memref<!tpu.dma_semaphore, #tpu.memory_space<semaphore_mem>>)
        %dma_wait3A_78 = tpu.memref_slice %arg4[%add3A_69] : memref<320080xi32, #tpu.memory_space<hbm>> -> memref<40xi32, #tpu.memory_space<hbm>>
        %dma_wait3A_79 = tpu.memref_slice %arg4[%add3A_69] : memref<320080xi32, #tpu.memory_space<hbm>> -> memref<40xi32, #tpu.memory_space<hbm>>
        tpu.wait_dma2 semaphore(%run_scoped3A : memref<!tpu.dma_semaphore, #tpu.memory_space<semaphore_mem>>) src(%dma_wait3A_79 : memref<40xi32, #tpu.memory_space<hbm>>) dst(%arg15 : memref<40xi32, #tpu.memory_space<vmem>>)
        tpu.yield
      }) : () -> ()
      "tpu.region"() ({
        %run_scoped3A = tpu.sem_alloc : memref<!tpu.dma_semaphore, #tpu.memory_space<semaphore_mem>>
        %dma_start3A_76 = tpu.memref_slice %arg5[%add3A_69] : memref<320080xi32, #tpu.memory_space<hbm>> -> memref<40xi32, #tpu.memory_space<hbm>>
        %dma_start3A_77 = tpu.memref_slice %arg5[%add3A_69] : memref<320080xi32, #tpu.memory_space<hbm>> -> memref<40xi32, #tpu.memory_space<hbm>>
        tpu.enqueue_dma source(%dma_start3A_77 : memref<40xi32, #tpu.memory_space<hbm>>) target(%arg16 : memref<40xi32, #tpu.memory_space<vmem>>) target_semaphore(%run_scoped3A : memref<!tpu.dma_semaphore, #tpu.memory_space<semaphore_mem>>)
        %dma_wait3A_78 = tpu.memref_slice %arg5[%add3A_69] : memref<320080xi32, #tpu.memory_space<hbm>> -> memref<40xi32, #tpu.memory_space<hbm>>
        %dma_wait3A_79 = tpu.memref_slice %arg5[%add3A_69] : memref<320080xi32, #tpu.memory_space<hbm>> -> memref<40xi32, #tpu.memory_space<hbm>>
        tpu.wait_dma2 semaphore(%run_scoped3A : memref<!tpu.dma_semaphore, #tpu.memory_space<semaphore_mem>>) src(%dma_wait3A_79 : memref<40xi32, #tpu.memory_space<hbm>>) dst(%arg16 : memref<40xi32, #tpu.memory_space<vmem>>)
        tpu.yield
      }) : () -> ()
      %dma_start3A_70 = arith.constant 0 : i32
      %dma_start3A_71 = arith.constant 0 : i32
      %dma_start3A_72 = tpu.memref_slice %arg2[%dma_start3A_70, %dma_start3A_71] : memref<10000x144xf32, #tpu.memory_space<hbm>> -> memref<10000x144xf32, #tpu.memory_space<hbm>>
      tpu.enqueue_indirect_dma source(%dma_start3A_72 : memref<10000x144xf32, #tpu.memory_space<hbm>>) target(%arg17 : memref<40x144xf32, #tpu.memory_space<vmem>>) offsets(%arg15 : memref<40xi32, #tpu.memory_space<vmem>>) semaphore(%arg22 : memref<!tpu.dma_semaphore, #tpu.memory_space<semaphore_mem>>)
      %dma_start3A_73 = arith.constant 0 : i32
      %dma_start3A_74 = arith.constant 0 : i32
      %dma_start3A_75 = tpu.memref_slice %arg3[%dma_start3A_73, %dma_start3A_74] : memref<10000x16xf32, #tpu.memory_space<hbm>> -> memref<10000x16xf32, #tpu.memory_space<hbm>>
      tpu.enqueue_indirect_dma source(%dma_start3A_75 : memref<10000x16xf32, #tpu.memory_space<hbm>>) target(%arg18 : memref<40x16xf32, #tpu.memory_space<vmem>>) offsets(%arg16 : memref<40xi32, #tpu.memory_space<vmem>>) semaphore(%arg22 : memref<!tpu.dma_semaphore, #tpu.memory_space<semaphore_mem>>)
    }
    %scan3A_26 = arith.constant 125 : i32
    %dma_wait3A = arith.constant 0 : i32
    %dma_wait3A_27 = arith.constant 0 : i32
    %dma_wait3A_28 = tpu.memref_slice %arg2[%dma_wait3A, %dma_wait3A_27] : memref<10000x144xf32, #tpu.memory_space<hbm>> -> memref<10000x144xf32, #tpu.memory_space<hbm>>
    tpu.wait_indirect_dma semaphore(%arg21 : memref<!tpu.dma_semaphore, #tpu.memory_space<semaphore_mem>>) src(%dma_wait3A_28 : memref<10000x144xf32, #tpu.memory_space<hbm>>) dst(%arg11 : memref<40x144xf32, #tpu.memory_space<vmem>>)
    %dma_wait3A_29 = arith.constant 0 : i32
    %dma_wait3A_30 = arith.constant 0 : i32
    %dma_wait3A_31 = tpu.memref_slice %arg3[%dma_wait3A_29, %dma_wait3A_30] : memref<10000x16xf32, #tpu.memory_space<hbm>> -> memref<10000x16xf32, #tpu.memory_space<hbm>>
    tpu.wait_indirect_dma semaphore(%arg21 : memref<!tpu.dma_semaphore, #tpu.memory_space<semaphore_mem>>) src(%dma_wait3A_31 : memref<10000x16xf32, #tpu.memory_space<hbm>>) dst(%arg12 : memref<40x16xf32, #tpu.memory_space<vmem>>)
    %dma_wait3A_32 = arith.constant 0 : i32
    %dma_wait3A_33 = arith.constant 0 : i32
    %dma_wait3A_34 = tpu.memref_slice %arg2[%dma_wait3A_32, %dma_wait3A_33] : memref<10000x144xf32, #tpu.memory_space<hbm>> -> memref<10000x144xf32, #tpu.memory_space<hbm>>
    tpu.wait_indirect_dma semaphore(%arg22 : memref<!tpu.dma_semaphore, #tpu.memory_space<semaphore_mem>>) src(%dma_wait3A_34 : memref<10000x144xf32, #tpu.memory_space<hbm>>) dst(%arg17 : memref<40x144xf32, #tpu.memory_space<vmem>>)
    %dma_wait3A_35 = arith.constant 0 : i32
    %dma_wait3A_36 = arith.constant 0 : i32
    %dma_wait3A_37 = tpu.memref_slice %arg3[%dma_wait3A_35, %dma_wait3A_36] : memref<10000x16xf32, #tpu.memory_space<hbm>> -> memref<10000x16xf32, #tpu.memory_space<hbm>>
    tpu.wait_indirect_dma semaphore(%arg22 : memref<!tpu.dma_semaphore, #tpu.memory_space<semaphore_mem>>) src(%dma_wait3A_37 : memref<10000x16xf32, #tpu.memory_space<hbm>>) dst(%arg18 : memref<40x16xf32, #tpu.memory_space<vmem>>)
    %barrier3A_38 = arith.constant 0 : index
    tpu.barrier barrier_id(%barrier3A_38)
    "tpu.region"() ({
      %run_scoped3A = tpu.sem_alloc : memref<!tpu.dma_semaphore, #tpu.memory_space<semaphore_mem>>
      %dma_start3A_39 = arith.constant 0 : i32
      %dma_start3A_40 = tpu.memref_slice %arg7[%arg0, %mul3A_2, %dma_start3A_39] : memref<2x10000x144xf32, #tpu.memory_space<hbm>> -> memref<1x625x144xf32, #tpu.memory_space<hbm>>
      %dma_start3A_41 = tpu.memref_squeeze %dma_start3A_40 : memref<1x625x144xf32, #tpu.memory_space<hbm>> -> memref<625x144xf32, #tpu.memory_space<hbm>>
      %dma_start3A_42 = arith.constant 0 : i32
      %dma_start3A_43 = tpu.memref_slice %arg8[%mul3A_2, %dma_start3A_42] : memref<10000x144xf32, #tpu.memory_space<vmem_shared>> -> memref<625x144xf32, #tpu.memory_space<vmem_shared>>
      tpu.enqueue_dma source(%dma_start3A_43 : memref<625x144xf32, #tpu.memory_space<vmem_shared>>) target(%dma_start3A_41 : memref<625x144xf32, #tpu.memory_space<hbm>>) target_semaphore(%run_scoped3A : memref<!tpu.dma_semaphore, #tpu.memory_space<semaphore_mem>>)
      %dma_wait3A_44 = arith.constant 0 : i32
      %dma_wait3A_45 = tpu.memref_slice %arg7[%arg0, %mul3A_2, %dma_wait3A_44] : memref<2x10000x144xf32, #tpu.memory_space<hbm>> -> memref<1x625x144xf32, #tpu.memory_space<hbm>>
      %dma_wait3A_46 = tpu.memref_squeeze %dma_wait3A_45 : memref<1x625x144xf32, #tpu.memory_space<hbm>> -> memref<625x144xf32, #tpu.memory_space<hbm>>
      %dma_wait3A_47 = arith.constant 0 : i32
      %dma_wait3A_48 = tpu.memref_slice %arg8[%mul3A_2, %dma_wait3A_47] : memref<10000x144xf32, #tpu.memory_space<vmem_shared>> -> memref<625x144xf32, #tpu.memory_space<vmem_shared>>
      tpu.wait_dma2 semaphore(%run_scoped3A : memref<!tpu.dma_semaphore, #tpu.memory_space<semaphore_mem>>) src(%dma_wait3A_48 : memref<625x144xf32, #tpu.memory_space<vmem_shared>>) dst(%dma_wait3A_46 : memref<625x144xf32, #tpu.memory_space<hbm>>)
      tpu.yield
    }) : () -> ()
    return
  }
}

#map = affine_map<(d0, d1) -> (0, 0)>
#map1 = affine_map<(d0, d1) -> (0)>
#map2 = affine_map<(d0, d1) -> (0, 0, 0)>
module attributes {stable_mosaic.version = 14 : i64} {
  func.func @_edge_body(%arg0: i32, %arg1: i32, %arg2: memref<10000x144xf32, #tpu.memory_space<hbm>>, %arg3: memref<10000x16xf32, #tpu.memory_space<hbm>>, %arg4: memref<320080xi32, #tpu.memory_space<hbm>>, %arg5: memref<320080xi32, #tpu.memory_space<hbm>>, %arg6: memref<2x10000x144xf32, #tpu.memory_space<hbm>>, %arg7: memref<2x10000x144xf32, #tpu.memory_space<hbm>>, %arg8: memref<10000x144xf32, #tpu.memory_space<vmem_shared>>, %arg9: memref<40xi32, #tpu.memory_space<vmem>>, %arg10: memref<40xi32, #tpu.memory_space<vmem>>, %arg11: memref<40x144xf32, #tpu.memory_space<vmem>>, %arg12: memref<40x16xf32, #tpu.memory_space<vmem>>, %arg13: memref<40x144xf32, #tpu.memory_space<vmem>>, %arg14: memref<40xi32, #tpu.memory_space<vmem>>, %arg15: memref<40xi32, #tpu.memory_space<vmem>>, %arg16: memref<40xi32, #tpu.memory_space<vmem>>, %arg17: memref<40x144xf32, #tpu.memory_space<vmem>>, %arg18: memref<40x16xf32, #tpu.memory_space<vmem>>, %arg19: memref<40x144xf32, #tpu.memory_space<vmem>>, %arg20: memref<40xi32, #tpu.memory_space<vmem>>, %arg21: memref<!tpu.dma_semaphore, #tpu.memory_space<semaphore_mem>>, %arg22: memref<!tpu.dma_semaphore, #tpu.memory_space<semaphore_mem>>, %arg23: memref<!tpu.dma_semaphore, #tpu.memory_space<semaphore_mem>>, %arg24: memref<!tpu.dma_semaphore, #tpu.memory_space<semaphore_mem>>) attributes {dimension_semantics = [#tpu.dimension_semantics<core_parallel>, #tpu.dimension_semantics<subcore_parallel>], iteration_bounds = array<i64: 2, 16>, scalar_prefetch = 0 : i64, scratch_operands = 17 : i64, tpu.core_type = #tpu.core_type<sc_vector_subcore>, window_params = [{transform_indices = #map}, {transform_indices = #map}, {transform_indices = #map1}, {transform_indices = #map1}, {transform_indices = #map2}, {transform_indices = #map2}]} {
    %mul3A = arith.constant 16 : i32
    %mul3A_0 = arith.muli %arg0, %mul3A : i32
    %add3A = arith.addi %mul3A_0, %arg1 : i32
    %mul3A_1 = arith.constant 625 : i32
    %mul3A_2 = arith.muli %arg1, %mul3A_1 : i32
    "tpu.region"() ({
      %run_scoped3A = tpu.sem_alloc : memref<!tpu.dma_semaphore, #tpu.memory_space<semaphore_mem>>
      %dma_start3A_39 = arith.constant 0 : i32
      %dma_start3A_40 = tpu.memref_slice %arg8[%mul3A_2, %dma_start3A_39] : memref<10000x144xf32, #tpu.memory_space<vmem_shared>> -> memref<625x144xf32, #tpu.memory_space<vmem_shared>>
      %dma_start3A_41 = arith.constant 0 : i32
      %dma_start3A_42 = tpu.memref_slice %arg6[%arg0, %mul3A_2, %dma_start3A_41] : memref<2x10000x144xf32, #tpu.memory_space<hbm>> -> memref<1x625x144xf32, #tpu.memory_space<hbm>>
      %dma_start3A_43 = tpu.memref_squeeze %dma_start3A_42 : memref<1x625x144xf32, #tpu.memory_space<hbm>> -> memref<625x144xf32, #tpu.memory_space<hbm>>
      tpu.enqueue_dma source(%dma_start3A_43 : memref<625x144xf32, #tpu.memory_space<hbm>>) target(%dma_start3A_40 : memref<625x144xf32, #tpu.memory_space<vmem_shared>>) target_semaphore(%run_scoped3A : memref<!tpu.dma_semaphore, #tpu.memory_space<semaphore_mem>>)
      %dma_wait3A_44 = arith.constant 0 : i32
      %dma_wait3A_45 = tpu.memref_slice %arg8[%mul3A_2, %dma_wait3A_44] : memref<10000x144xf32, #tpu.memory_space<vmem_shared>> -> memref<625x144xf32, #tpu.memory_space<vmem_shared>>
      %dma_wait3A_46 = arith.constant 0 : i32
      %dma_wait3A_47 = tpu.memref_slice %arg6[%arg0, %mul3A_2, %dma_wait3A_46] : memref<2x10000x144xf32, #tpu.memory_space<hbm>> -> memref<1x625x144xf32, #tpu.memory_space<hbm>>
      %dma_wait3A_48 = tpu.memref_squeeze %dma_wait3A_47 : memref<1x625x144xf32, #tpu.memory_space<hbm>> -> memref<625x144xf32, #tpu.memory_space<hbm>>
      tpu.wait_dma2 semaphore(%run_scoped3A : memref<!tpu.dma_semaphore, #tpu.memory_space<semaphore_mem>>) src(%dma_wait3A_48 : memref<625x144xf32, #tpu.memory_space<hbm>>) dst(%dma_wait3A_45 : memref<625x144xf32, #tpu.memory_space<vmem_shared>>)
      tpu.yield
    }) : () -> ()
    %barrier3A = arith.constant 0 : index
    tpu.barrier barrier_id(%barrier3A)
    %mul3A_3 = arith.constant 250 : i32
    %mul3A_4 = arith.muli %add3A, %mul3A_3 : i32
    %mul3A_5 = arith.constant 40 : i32
    %mul3A_6 = arith.muli %mul3A_4, %mul3A_5 : i32
    %add3A_7 = arith.constant 0 : i32
    %add3A_8 = arith.addi %mul3A_6, %add3A_7 : i32
    "tpu.region"() ({
      %run_scoped3A = tpu.sem_alloc : memref<!tpu.dma_semaphore, #tpu.memory_space<semaphore_mem>>
      %dma_start3A_39 = tpu.memref_slice %arg4[%add3A_8] : memref<320080xi32, #tpu.memory_space<hbm>> -> memref<40xi32, #tpu.memory_space<hbm>>
      %dma_start3A_40 = tpu.memref_slice %arg4[%add3A_8] : memref<320080xi32, #tpu.memory_space<hbm>> -> memref<40xi32, #tpu.memory_space<hbm>>
      tpu.enqueue_dma source(%dma_start3A_40 : memref<40xi32, #tpu.memory_space<hbm>>) target(%arg9 : memref<40xi32, #tpu.memory_space<vmem>>) target_semaphore(%run_scoped3A : memref<!tpu.dma_semaphore, #tpu.memory_space<semaphore_mem>>)
      %dma_wait3A_41 = tpu.memref_slice %arg4[%add3A_8] : memref<320080xi32, #tpu.memory_space<hbm>> -> memref<40xi32, #tpu.memory_space<hbm>>
      %dma_wait3A_42 = tpu.memref_slice %arg4[%add3A_8] : memref<320080xi32, #tpu.memory_space<hbm>> -> memref<40xi32, #tpu.memory_space<hbm>>
      tpu.wait_dma2 semaphore(%run_scoped3A : memref<!tpu.dma_semaphore, #tpu.memory_space<semaphore_mem>>) src(%dma_wait3A_42 : memref<40xi32, #tpu.memory_space<hbm>>) dst(%arg9 : memref<40xi32, #tpu.memory_space<vmem>>)
      tpu.yield
    }) : () -> ()
    "tpu.region"() ({
      %run_scoped3A = tpu.sem_alloc : memref<!tpu.dma_semaphore, #tpu.memory_space<semaphore_mem>>
      %dma_start3A_39 = tpu.memref_slice %arg5[%add3A_8] : memref<320080xi32, #tpu.memory_space<hbm>> -> memref<40xi32, #tpu.memory_space<hbm>>
      %dma_start3A_40 = tpu.memref_slice %arg5[%add3A_8] : memref<320080xi32, #tpu.memory_space<hbm>> -> memref<40xi32, #tpu.memory_space<hbm>>
      tpu.enqueue_dma source(%dma_start3A_40 : memref<40xi32, #tpu.memory_space<hbm>>) target(%arg10 : memref<40xi32, #tpu.memory_space<vmem>>) target_semaphore(%run_scoped3A : memref<!tpu.dma_semaphore, #tpu.memory_space<semaphore_mem>>)
      %dma_wait3A_41 = tpu.memref_slice %arg5[%add3A_8] : memref<320080xi32, #tpu.memory_space<hbm>> -> memref<40xi32, #tpu.memory_space<hbm>>
      %dma_wait3A_42 = tpu.memref_slice %arg5[%add3A_8] : memref<320080xi32, #tpu.memory_space<hbm>> -> memref<40xi32, #tpu.memory_space<hbm>>
      tpu.wait_dma2 semaphore(%run_scoped3A : memref<!tpu.dma_semaphore, #tpu.memory_space<semaphore_mem>>) src(%dma_wait3A_42 : memref<40xi32, #tpu.memory_space<hbm>>) dst(%arg10 : memref<40xi32, #tpu.memory_space<vmem>>)
      tpu.yield
    }) : () -> ()
    %dma_start3A = arith.constant 0 : i32
    %dma_start3A_9 = arith.constant 0 : i32
    %dma_start3A_10 = tpu.memref_slice %arg2[%dma_start3A, %dma_start3A_9] : memref<10000x144xf32, #tpu.memory_space<hbm>> -> memref<10000x144xf32, #tpu.memory_space<hbm>>
    tpu.enqueue_indirect_dma source(%dma_start3A_10 : memref<10000x144xf32, #tpu.memory_space<hbm>>) target(%arg11 : memref<40x144xf32, #tpu.memory_space<vmem>>) offsets(%arg9 : memref<40xi32, #tpu.memory_space<vmem>>) semaphore(%arg21 : memref<!tpu.dma_semaphore, #tpu.memory_space<semaphore_mem>>)
    %dma_start3A_11 = arith.constant 0 : i32
    %dma_start3A_12 = arith.constant 0 : i32
    %dma_start3A_13 = tpu.memref_slice %arg3[%dma_start3A_11, %dma_start3A_12] : memref<10000x16xf32, #tpu.memory_space<hbm>> -> memref<10000x16xf32, #tpu.memory_space<hbm>>
    tpu.enqueue_indirect_dma source(%dma_start3A_13 : memref<10000x16xf32, #tpu.memory_space<hbm>>) target(%arg12 : memref<40x16xf32, #tpu.memory_space<vmem>>) offsets(%arg10 : memref<40xi32, #tpu.memory_space<vmem>>) semaphore(%arg21 : memref<!tpu.dma_semaphore, #tpu.memory_space<semaphore_mem>>)
    %add3A_14 = arith.constant 40 : i32
    %add3A_15 = arith.addi %mul3A_6, %add3A_14 : i32
    "tpu.region"() ({
      %run_scoped3A = tpu.sem_alloc : memref<!tpu.dma_semaphore, #tpu.memory_space<semaphore_mem>>
      %dma_start3A_39 = tpu.memref_slice %arg4[%add3A_15] : memref<320080xi32, #tpu.memory_space<hbm>> -> memref<40xi32, #tpu.memory_space<hbm>>
      %dma_start3A_40 = tpu.memref_slice %arg4[%add3A_15] : memref<320080xi32, #tpu.memory_space<hbm>> -> memref<40xi32, #tpu.memory_space<hbm>>
      tpu.enqueue_dma source(%dma_start3A_40 : memref<40xi32, #tpu.memory_space<hbm>>) target(%arg15 : memref<40xi32, #tpu.memory_space<vmem>>) target_semaphore(%run_scoped3A : memref<!tpu.dma_semaphore, #tpu.memory_space<semaphore_mem>>)
      %dma_wait3A_41 = tpu.memref_slice %arg4[%add3A_15] : memref<320080xi32, #tpu.memory_space<hbm>> -> memref<40xi32, #tpu.memory_space<hbm>>
      %dma_wait3A_42 = tpu.memref_slice %arg4[%add3A_15] : memref<320080xi32, #tpu.memory_space<hbm>> -> memref<40xi32, #tpu.memory_space<hbm>>
      tpu.wait_dma2 semaphore(%run_scoped3A : memref<!tpu.dma_semaphore, #tpu.memory_space<semaphore_mem>>) src(%dma_wait3A_42 : memref<40xi32, #tpu.memory_space<hbm>>) dst(%arg15 : memref<40xi32, #tpu.memory_space<vmem>>)
      tpu.yield
    }) : () -> ()
    "tpu.region"() ({
      %run_scoped3A = tpu.sem_alloc : memref<!tpu.dma_semaphore, #tpu.memory_space<semaphore_mem>>
      %dma_start3A_39 = tpu.memref_slice %arg5[%add3A_15] : memref<320080xi32, #tpu.memory_space<hbm>> -> memref<40xi32, #tpu.memory_space<hbm>>
      %dma_start3A_40 = tpu.memref_slice %arg5[%add3A_15] : memref<320080xi32, #tpu.memory_space<hbm>> -> memref<40xi32, #tpu.memory_space<hbm>>
      tpu.enqueue_dma source(%dma_start3A_40 : memref<40xi32, #tpu.memory_space<hbm>>) target(%arg16 : memref<40xi32, #tpu.memory_space<vmem>>) target_semaphore(%run_scoped3A : memref<!tpu.dma_semaphore, #tpu.memory_space<semaphore_mem>>)
      %dma_wait3A_41 = tpu.memref_slice %arg5[%add3A_15] : memref<320080xi32, #tpu.memory_space<hbm>> -> memref<40xi32, #tpu.memory_space<hbm>>
      %dma_wait3A_42 = tpu.memref_slice %arg5[%add3A_15] : memref<320080xi32, #tpu.memory_space<hbm>> -> memref<40xi32, #tpu.memory_space<hbm>>
      tpu.wait_dma2 semaphore(%run_scoped3A : memref<!tpu.dma_semaphore, #tpu.memory_space<semaphore_mem>>) src(%dma_wait3A_42 : memref<40xi32, #tpu.memory_space<hbm>>) dst(%arg16 : memref<40xi32, #tpu.memory_space<vmem>>)
      tpu.yield
    }) : () -> ()
    %dma_start3A_16 = arith.constant 0 : i32
    %dma_start3A_17 = arith.constant 0 : i32
    %dma_start3A_18 = tpu.memref_slice %arg2[%dma_start3A_16, %dma_start3A_17] : memref<10000x144xf32, #tpu.memory_space<hbm>> -> memref<10000x144xf32, #tpu.memory_space<hbm>>
    tpu.enqueue_indirect_dma source(%dma_start3A_18 : memref<10000x144xf32, #tpu.memory_space<hbm>>) target(%arg17 : memref<40x144xf32, #tpu.memory_space<vmem>>) offsets(%arg15 : memref<40xi32, #tpu.memory_space<vmem>>) semaphore(%arg22 : memref<!tpu.dma_semaphore, #tpu.memory_space<semaphore_mem>>)
    %dma_start3A_19 = arith.constant 0 : i32
    %dma_start3A_20 = arith.constant 0 : i32
    %dma_start3A_21 = tpu.memref_slice %arg3[%dma_start3A_19, %dma_start3A_20] : memref<10000x16xf32, #tpu.memory_space<hbm>> -> memref<10000x16xf32, #tpu.memory_space<hbm>>
    tpu.enqueue_indirect_dma source(%dma_start3A_21 : memref<10000x16xf32, #tpu.memory_space<hbm>>) target(%arg18 : memref<40x16xf32, #tpu.memory_space<vmem>>) offsets(%arg16 : memref<40xi32, #tpu.memory_space<vmem>>) semaphore(%arg22 : memref<!tpu.dma_semaphore, #tpu.memory_space<semaphore_mem>>)
    %scan3A = arith.constant 0 : i32
    %scan3A_22 = arith.constant 0 : i32
    %scan3A_23 = arith.constant 125 : i32
    %scan3A_24 = arith.addi %scan3A_22, %scan3A_23 : i32
    %scan3A_25 = arith.constant 1 : i32
    scf.for %scan3A_39 = %scan3A_22 to %scan3A_24 step %scan3A_25  : i32 {
      %mul3A_40 = arith.constant 2 : i32
      %mul3A_41 = arith.muli %mul3A_40, %scan3A_39 : i32
      %dma_wait3A_42 = arith.constant 0 : i32
      %dma_wait3A_43 = arith.constant 0 : i32
      %dma_wait3A_44 = tpu.memref_slice %arg2[%dma_wait3A_42, %dma_wait3A_43] : memref<10000x144xf32, #tpu.memory_space<hbm>> -> memref<10000x144xf32, #tpu.memory_space<hbm>>
      tpu.wait_indirect_dma semaphore(%arg21 : memref<!tpu.dma_semaphore, #tpu.memory_space<semaphore_mem>>) src(%dma_wait3A_44 : memref<10000x144xf32, #tpu.memory_space<hbm>>) dst(%arg11 : memref<40x144xf32, #tpu.memory_space<vmem>>)
      %dma_wait3A_45 = arith.constant 0 : i32
      %dma_wait3A_46 = arith.constant 0 : i32
      %dma_wait3A_47 = tpu.memref_slice %arg3[%dma_wait3A_45, %dma_wait3A_46] : memref<10000x16xf32, #tpu.memory_space<hbm>> -> memref<10000x16xf32, #tpu.memory_space<hbm>>
      tpu.wait_indirect_dma semaphore(%arg21 : memref<!tpu.dma_semaphore, #tpu.memory_space<semaphore_mem>>) src(%dma_wait3A_47 : memref<10000x16xf32, #tpu.memory_space<hbm>>) dst(%arg12 : memref<40x16xf32, #tpu.memory_space<vmem>>)
      %dma_wait3A_48 = arith.constant 0 : i32
      %dma_wait3A_49 = arith.constant 0 : i32
      %dma_wait3A_50 = tpu.memref_slice %arg2[%dma_wait3A_48, %dma_wait3A_49] : memref<10000x144xf32, #tpu.memory_space<hbm>> -> memref<10000x144xf32, #tpu.memory_space<hbm>>
      tpu.wait_indirect_dma semaphore(%arg22 : memref<!tpu.dma_semaphore, #tpu.memory_space<semaphore_mem>>) src(%dma_wait3A_50 : memref<10000x144xf32, #tpu.memory_space<hbm>>) dst(%arg17 : memref<40x144xf32, #tpu.memory_space<vmem>>)
      %dma_wait3A_51 = arith.constant 0 : i32
      %dma_wait3A_52 = arith.constant 0 : i32
      %dma_wait3A_53 = tpu.memref_slice %arg3[%dma_wait3A_51, %dma_wait3A_52] : memref<10000x16xf32, #tpu.memory_space<hbm>> -> memref<10000x16xf32, #tpu.memory_space<hbm>>
      tpu.wait_indirect_dma semaphore(%arg22 : memref<!tpu.dma_semaphore, #tpu.memory_space<semaphore_mem>>) src(%dma_wait3A_53 : memref<10000x16xf32, #tpu.memory_space<hbm>>) dst(%arg18 : memref<40x16xf32, #tpu.memory_space<vmem>>)
      "tpu.region"() ({
        %run_scoped3A = tpu.sem_alloc : memref<!tpu.dma_semaphore, #tpu.memory_space<semaphore_mem>>
        %dma_start3A_76 = arith.constant 0 : i32
        %dma_start3A_77 = arith.constant 0 : i32
        %dma_start3A_78 = tpu.memref_slice %arg8[%dma_start3A_76, %dma_start3A_77] : memref<10000x144xf32, #tpu.memory_space<vmem_shared>> -> memref<10000x144xf32, #tpu.memory_space<vmem_shared>>
        tpu.enqueue_indirect_dma source(%arg13 : memref<40x144xf32, #tpu.memory_space<vmem>>) target(%dma_start3A_78 : memref<10000x144xf32, #tpu.memory_space<vmem_shared>>) offsets(%arg10 : memref<40xi32, #tpu.memory_space<vmem>>) semaphore(%run_scoped3A : memref<!tpu.dma_semaphore, #tpu.memory_space<semaphore_mem>>) {add = true}
        %dma_wait3A_79 = arith.constant 0 : i32
        %dma_wait3A_80 = arith.constant 0 : i32
        %dma_wait3A_81 = tpu.memref_slice %arg8[%dma_wait3A_79, %dma_wait3A_80] : memref<10000x144xf32, #tpu.memory_space<vmem_shared>> -> memref<10000x144xf32, #tpu.memory_space<vmem_shared>>
        tpu.wait_indirect_dma semaphore(%run_scoped3A : memref<!tpu.dma_semaphore, #tpu.memory_space<semaphore_mem>>) src(%arg13 : memref<40x144xf32, #tpu.memory_space<vmem>>) dst(%dma_wait3A_81 : memref<10000x144xf32, #tpu.memory_space<vmem_shared>>)
        tpu.yield
      }) : () -> ()
      "tpu.region"() ({
        %run_scoped3A = tpu.sem_alloc : memref<!tpu.dma_semaphore, #tpu.memory_space<semaphore_mem>>
        %dma_start3A_76 = arith.constant 0 : i32
        %dma_start3A_77 = arith.constant 0 : i32
        %dma_start3A_78 = tpu.memref_slice %arg8[%dma_start3A_76, %dma_start3A_77] : memref<10000x144xf32, #tpu.memory_space<vmem_shared>> -> memref<10000x144xf32, #tpu.memory_space<vmem_shared>>
        tpu.enqueue_indirect_dma source(%arg19 : memref<40x144xf32, #tpu.memory_space<vmem>>) target(%dma_start3A_78 : memref<10000x144xf32, #tpu.memory_space<vmem_shared>>) offsets(%arg16 : memref<40xi32, #tpu.memory_space<vmem>>) semaphore(%run_scoped3A : memref<!tpu.dma_semaphore, #tpu.memory_space<semaphore_mem>>) {add = true}
        %dma_wait3A_79 = arith.constant 0 : i32
        %dma_wait3A_80 = arith.constant 0 : i32
        %dma_wait3A_81 = tpu.memref_slice %arg8[%dma_wait3A_79, %dma_wait3A_80] : memref<10000x144xf32, #tpu.memory_space<vmem_shared>> -> memref<10000x144xf32, #tpu.memory_space<vmem_shared>>
        tpu.wait_indirect_dma semaphore(%run_scoped3A : memref<!tpu.dma_semaphore, #tpu.memory_space<semaphore_mem>>) src(%arg19 : memref<40x144xf32, #tpu.memory_space<vmem>>) dst(%dma_wait3A_81 : memref<10000x144xf32, #tpu.memory_space<vmem_shared>>)
        tpu.yield
      }) : () -> ()
      %add3A_54 = arith.constant 2 : i32
      %add3A_55 = arith.addi %mul3A_41, %add3A_54 : i32
      %mul3A_56 = arith.constant 40 : i32
      %mul3A_57 = arith.muli %add3A_55, %mul3A_56 : i32
      %add3A_58 = arith.addi %mul3A_6, %mul3A_57 : i32
      "tpu.region"() ({
        %run_scoped3A = tpu.sem_alloc : memref<!tpu.dma_semaphore, #tpu.memory_space<semaphore_mem>>
        %dma_start3A_76 = tpu.memref_slice %arg4[%add3A_58] : memref<320080xi32, #tpu.memory_space<hbm>> -> memref<40xi32, #tpu.memory_space<hbm>>
        %dma_start3A_77 = tpu.memref_slice %arg4[%add3A_58] : memref<320080xi32, #tpu.memory_space<hbm>> -> memref<40xi32, #tpu.memory_space<hbm>>
        tpu.enqueue_dma source(%dma_start3A_77 : memref<40xi32, #tpu.memory_space<hbm>>) target(%arg9 : memref<40xi32, #tpu.memory_space<vmem>>) target_semaphore(%run_scoped3A : memref<!tpu.dma_semaphore, #tpu.memory_space<semaphore_mem>>)
        %dma_wait3A_78 = tpu.memref_slice %arg4[%add3A_58] : memref<320080xi32, #tpu.memory_space<hbm>> -> memref<40xi32, #tpu.memory_space<hbm>>
        %dma_wait3A_79 = tpu.memref_slice %arg4[%add3A_58] : memref<320080xi32, #tpu.memory_space<hbm>> -> memref<40xi32, #tpu.memory_space<hbm>>
        tpu.wait_dma2 semaphore(%run_scoped3A : memref<!tpu.dma_semaphore, #tpu.memory_space<semaphore_mem>>) src(%dma_wait3A_79 : memref<40xi32, #tpu.memory_space<hbm>>) dst(%arg9 : memref<40xi32, #tpu.memory_space<vmem>>)
        tpu.yield
      }) : () -> ()
      "tpu.region"() ({
        %run_scoped3A = tpu.sem_alloc : memref<!tpu.dma_semaphore, #tpu.memory_space<semaphore_mem>>
        %dma_start3A_76 = tpu.memref_slice %arg5[%add3A_58] : memref<320080xi32, #tpu.memory_space<hbm>> -> memref<40xi32, #tpu.memory_space<hbm>>
        %dma_start3A_77 = tpu.memref_slice %arg5[%add3A_58] : memref<320080xi32, #tpu.memory_space<hbm>> -> memref<40xi32, #tpu.memory_space<hbm>>
        tpu.enqueue_dma source(%dma_start3A_77 : memref<40xi32, #tpu.memory_space<hbm>>) target(%arg10 : memref<40xi32, #tpu.memory_space<vmem>>) target_semaphore(%run_scoped3A : memref<!tpu.dma_semaphore, #tpu.memory_space<semaphore_mem>>)
        %dma_wait3A_78 = tpu.memref_slice %arg5[%add3A_58] : memref<320080xi32, #tpu.memory_space<hbm>> -> memref<40xi32, #tpu.memory_space<hbm>>
        %dma_wait3A_79 = tpu.memref_slice %arg5[%add3A_58] : memref<320080xi32, #tpu.memory_space<hbm>> -> memref<40xi32, #tpu.memory_space<hbm>>
        tpu.wait_dma2 semaphore(%run_scoped3A : memref<!tpu.dma_semaphore, #tpu.memory_space<semaphore_mem>>) src(%dma_wait3A_79 : memref<40xi32, #tpu.memory_space<hbm>>) dst(%arg10 : memref<40xi32, #tpu.memory_space<vmem>>)
        tpu.yield
      }) : () -> ()
      %dma_start3A_59 = arith.constant 0 : i32
      %dma_start3A_60 = arith.constant 0 : i32
      %dma_start3A_61 = tpu.memref_slice %arg2[%dma_start3A_59, %dma_start3A_60] : memref<10000x144xf32, #tpu.memory_space<hbm>> -> memref<10000x144xf32, #tpu.memory_space<hbm>>
      tpu.enqueue_indirect_dma source(%dma_start3A_61 : memref<10000x144xf32, #tpu.memory_space<hbm>>) target(%arg11 : memref<40x144xf32, #tpu.memory_space<vmem>>) offsets(%arg9 : memref<40xi32, #tpu.memory_space<vmem>>) semaphore(%arg21 : memref<!tpu.dma_semaphore, #tpu.memory_space<semaphore_mem>>)
      %dma_start3A_62 = arith.constant 0 : i32
      %dma_start3A_63 = arith.constant 0 : i32
      %dma_start3A_64 = tpu.memref_slice %arg3[%dma_start3A_62, %dma_start3A_63] : memref<10000x16xf32, #tpu.memory_space<hbm>> -> memref<10000x16xf32, #tpu.memory_space<hbm>>
      tpu.enqueue_indirect_dma source(%dma_start3A_64 : memref<10000x16xf32, #tpu.memory_space<hbm>>) target(%arg12 : memref<40x16xf32, #tpu.memory_space<vmem>>) offsets(%arg10 : memref<40xi32, #tpu.memory_space<vmem>>) semaphore(%arg21 : memref<!tpu.dma_semaphore, #tpu.memory_space<semaphore_mem>>)
      %add3A_65 = arith.constant 3 : i32
      %add3A_66 = arith.addi %mul3A_41, %add3A_65 : i32
      %mul3A_67 = arith.constant 40 : i32
      %mul3A_68 = arith.muli %add3A_66, %mul3A_67 : i32
      %add3A_69 = arith.addi %mul3A_6, %mul3A_68 : i32
      "tpu.region"() ({
        %run_scoped3A = tpu.sem_alloc : memref<!tpu.dma_semaphore, #tpu.memory_space<semaphore_mem>>
        %dma_start3A_76 = tpu.memref_slice %arg4[%add3A_69] : memref<320080xi32, #tpu.memory_space<hbm>> -> memref<40xi32, #tpu.memory_space<hbm>>
        %dma_start3A_77 = tpu.memref_slice %arg4[%add3A_69] : memref<320080xi32, #tpu.memory_space<hbm>> -> memref<40xi32, #tpu.memory_space<hbm>>
        tpu.enqueue_dma source(%dma_start3A_77 : memref<40xi32, #tpu.memory_space<hbm>>) target(%arg15 : memref<40xi32, #tpu.memory_space<vmem>>) target_semaphore(%run_scoped3A : memref<!tpu.dma_semaphore, #tpu.memory_space<semaphore_mem>>)
        %dma_wait3A_78 = tpu.memref_slice %arg4[%add3A_69] : memref<320080xi32, #tpu.memory_space<hbm>> -> memref<40xi32, #tpu.memory_space<hbm>>
        %dma_wait3A_79 = tpu.memref_slice %arg4[%add3A_69] : memref<320080xi32, #tpu.memory_space<hbm>> -> memref<40xi32, #tpu.memory_space<hbm>>
        tpu.wait_dma2 semaphore(%run_scoped3A : memref<!tpu.dma_semaphore, #tpu.memory_space<semaphore_mem>>) src(%dma_wait3A_79 : memref<40xi32, #tpu.memory_space<hbm>>) dst(%arg15 : memref<40xi32, #tpu.memory_space<vmem>>)
        tpu.yield
      }) : () -> ()
      "tpu.region"() ({
        %run_scoped3A = tpu.sem_alloc : memref<!tpu.dma_semaphore, #tpu.memory_space<semaphore_mem>>
        %dma_start3A_76 = tpu.memref_slice %arg5[%add3A_69] : memref<320080xi32, #tpu.memory_space<hbm>> -> memref<40xi32, #tpu.memory_space<hbm>>
        %dma_start3A_77 = tpu.memref_slice %arg5[%add3A_69] : memref<320080xi32, #tpu.memory_space<hbm>> -> memref<40xi32, #tpu.memory_space<hbm>>
        tpu.enqueue_dma source(%dma_start3A_77 : memref<40xi32, #tpu.memory_space<hbm>>) target(%arg16 : memref<40xi32, #tpu.memory_space<vmem>>) target_semaphore(%run_scoped3A : memref<!tpu.dma_semaphore, #tpu.memory_space<semaphore_mem>>)
        %dma_wait3A_78 = tpu.memref_slice %arg5[%add3A_69] : memref<320080xi32, #tpu.memory_space<hbm>> -> memref<40xi32, #tpu.memory_space<hbm>>
        %dma_wait3A_79 = tpu.memref_slice %arg5[%add3A_69] : memref<320080xi32, #tpu.memory_space<hbm>> -> memref<40xi32, #tpu.memory_space<hbm>>
        tpu.wait_dma2 semaphore(%run_scoped3A : memref<!tpu.dma_semaphore, #tpu.memory_space<semaphore_mem>>) src(%dma_wait3A_79 : memref<40xi32, #tpu.memory_space<hbm>>) dst(%arg16 : memref<40xi32, #tpu.memory_space<vmem>>)
        tpu.yield
      }) : () -> ()
      %dma_start3A_70 = arith.constant 0 : i32
      %dma_start3A_71 = arith.constant 0 : i32
      %dma_start3A_72 = tpu.memref_slice %arg2[%dma_start3A_70, %dma_start3A_71] : memref<10000x144xf32, #tpu.memory_space<hbm>> -> memref<10000x144xf32, #tpu.memory_space<hbm>>
      tpu.enqueue_indirect_dma source(%dma_start3A_72 : memref<10000x144xf32, #tpu.memory_space<hbm>>) target(%arg17 : memref<40x144xf32, #tpu.memory_space<vmem>>) offsets(%arg15 : memref<40xi32, #tpu.memory_space<vmem>>) semaphore(%arg22 : memref<!tpu.dma_semaphore, #tpu.memory_space<semaphore_mem>>)
      %dma_start3A_73 = arith.constant 0 : i32
      %dma_start3A_74 = arith.constant 0 : i32
      %dma_start3A_75 = tpu.memref_slice %arg3[%dma_start3A_73, %dma_start3A_74] : memref<10000x16xf32, #tpu.memory_space<hbm>> -> memref<10000x16xf32, #tpu.memory_space<hbm>>
      tpu.enqueue_indirect_dma source(%dma_start3A_75 : memref<10000x16xf32, #tpu.memory_space<hbm>>) target(%arg18 : memref<40x16xf32, #tpu.memory_space<vmem>>) offsets(%arg16 : memref<40xi32, #tpu.memory_space<vmem>>) semaphore(%arg22 : memref<!tpu.dma_semaphore, #tpu.memory_space<semaphore_mem>>)
    }
    %scan3A_26 = arith.constant 125 : i32
    %dma_wait3A = arith.constant 0 : i32
    %dma_wait3A_27 = arith.constant 0 : i32
    %dma_wait3A_28 = tpu.memref_slice %arg2[%dma_wait3A, %dma_wait3A_27] : memref<10000x144xf32, #tpu.memory_space<hbm>> -> memref<10000x144xf32, #tpu.memory_space<hbm>>
    tpu.wait_indirect_dma semaphore(%arg21 : memref<!tpu.dma_semaphore, #tpu.memory_space<semaphore_mem>>) src(%dma_wait3A_28 : memref<10000x144xf32, #tpu.memory_space<hbm>>) dst(%arg11 : memref<40x144xf32, #tpu.memory_space<vmem>>)
    %dma_wait3A_29 = arith.constant 0 : i32
    %dma_wait3A_30 = arith.constant 0 : i32
    %dma_wait3A_31 = tpu.memref_slice %arg3[%dma_wait3A_29, %dma_wait3A_30] : memref<10000x16xf32, #tpu.memory_space<hbm>> -> memref<10000x16xf32, #tpu.memory_space<hbm>>
    tpu.wait_indirect_dma semaphore(%arg21 : memref<!tpu.dma_semaphore, #tpu.memory_space<semaphore_mem>>) src(%dma_wait3A_31 : memref<10000x16xf32, #tpu.memory_space<hbm>>) dst(%arg12 : memref<40x16xf32, #tpu.memory_space<vmem>>)
    %dma_wait3A_32 = arith.constant 0 : i32
    %dma_wait3A_33 = arith.constant 0 : i32
    %dma_wait3A_34 = tpu.memref_slice %arg2[%dma_wait3A_32, %dma_wait3A_33] : memref<10000x144xf32, #tpu.memory_space<hbm>> -> memref<10000x144xf32, #tpu.memory_space<hbm>>
    tpu.wait_indirect_dma semaphore(%arg22 : memref<!tpu.dma_semaphore, #tpu.memory_space<semaphore_mem>>) src(%dma_wait3A_34 : memref<10000x144xf32, #tpu.memory_space<hbm>>) dst(%arg17 : memref<40x144xf32, #tpu.memory_space<vmem>>)
    %dma_wait3A_35 = arith.constant 0 : i32
    %dma_wait3A_36 = arith.constant 0 : i32
    %dma_wait3A_37 = tpu.memref_slice %arg3[%dma_wait3A_35, %dma_wait3A_36] : memref<10000x16xf32, #tpu.memory_space<hbm>> -> memref<10000x16xf32, #tpu.memory_space<hbm>>
    tpu.wait_indirect_dma semaphore(%arg22 : memref<!tpu.dma_semaphore, #tpu.memory_space<semaphore_mem>>) src(%dma_wait3A_37 : memref<10000x16xf32, #tpu.memory_space<hbm>>) dst(%arg18 : memref<40x16xf32, #tpu.memory_space<vmem>>)
    %barrier3A_38 = arith.constant 0 : index
    tpu.barrier barrier_id(%barrier3A_38)
    "tpu.region"() ({
      %run_scoped3A = tpu.sem_alloc : memref<!tpu.dma_semaphore, #tpu.memory_space<semaphore_mem>>
      %dma_start3A_39 = arith.constant 0 : i32
      %dma_start3A_40 = tpu.memref_slice %arg7[%arg0, %mul3A_2, %dma_start3A_39] : memref<2x10000x144xf32, #tpu.memory_space<hbm>> -> memref<1x625x144xf32, #tpu.memory_space<hbm>>
      %dma_start3A_41 = tpu.memref_squeeze %dma_start3A_40 : memref<1x625x144xf32, #tpu.memory_space<hbm>> -> memref<625x144xf32, #tpu.memory_space<hbm>>
      %dma_start3A_42 = arith.constant 0 : i32
      %dma_start3A_43 = tpu.memref_slice %arg8[%mul3A_2, %dma_start3A_42] : memref<10000x144xf32, #tpu.memory_space<vmem_shared>> -> memref<625x144xf32, #tpu.memory_space<vmem_shared>>
      tpu.enqueue_dma source(%dma_start3A_43 : memref<625x144xf32, #tpu.memory_space<vmem_shared>>) target(%dma_start3A_41 : memref<625x144xf32, #tpu.memory_space<hbm>>) target_semaphore(%run_scoped3A : memref<!tpu.dma_semaphore, #tpu.memory_space<semaphore_mem>>)
      %dma_wait3A_44 = arith.constant 0 : i32
      %dma_wait3A_45 = tpu.memref_slice %arg7[%arg0, %mul3A_2, %dma_wait3A_44] : memref<2x10000x144xf32, #tpu.memory_space<hbm>> -> memref<1x625x144xf32, #tpu.memory_space<hbm>>
      %dma_wait3A_46 = tpu.memref_squeeze %dma_wait3A_45 : memref<1x625x144xf32, #tpu.memory_space<hbm>> -> memref<625x144xf32, #tpu.memory_space<hbm>>
      %dma_wait3A_47 = arith.constant 0 : i32
      %dma_wait3A_48 = tpu.memref_slice %arg8[%mul3A_2, %dma_wait3A_47] : memref<10000x144xf32, #tpu.memory_space<vmem_shared>> -> memref<625x144xf32, #tpu.memory_space<vmem_shared>>
      tpu.wait_dma2 semaphore(%run_scoped3A : memref<!tpu.dma_semaphore, #tpu.memory_space<semaphore_mem>>) src(%dma_wait3A_48 : memref<625x144xf32, #tpu.memory_space<vmem_shared>>) dst(%dma_wait3A_46 : memref<625x144xf32, #tpu.memory_space<hbm>>)
      tpu.yield
    }) : () -> ()
    return
  }
}

module attributes {stable_mosaic.version = 14 : i64} {
  func.func @_prep_body(%arg0: i32, %arg1: memref<2000x128xf32, #tpu.memory_space<vmem>>, %arg2: memref<128x128xf32, #tpu.memory_space<vmem>>, %arg3: memref<8x16xf32, #tpu.memory_space<vmem>>, %arg4: memref<8x16xf32, #tpu.memory_space<vmem>>, %arg5: memref<2000x144xf32, #tpu.memory_space<vmem>>, %arg6: memref<2000x16xf32, #tpu.memory_space<vmem>>, %arg7: memref<2x2000x144xf32, #tpu.memory_space<vmem>>) attributes {dimension_semantics = [#tpu.dimension_semantics<arbitrary>], iteration_bounds = array<i64: 5>, scalar_prefetch = 0 : i64, scratch_operands = 0 : i64, tpu.core_type = #tpu.core_type<tc>, window_params = [{transform_indices = @transform_0, window_bounds = array<i64: 2000, 128>}, {pipeline_mode = #tpu.pipeline_mode<synchronous>, transform_indices = @transform_1, window_bounds = array<i64: 128, 128>}, {pipeline_mode = #tpu.pipeline_mode<synchronous>, transform_indices = @transform_2, window_bounds = array<i64: 8, 16>}, {pipeline_mode = #tpu.pipeline_mode<synchronous>, transform_indices = @transform_3, window_bounds = array<i64: 8, 16>}, {transform_indices = @transform_4, window_bounds = array<i64: 2000, 144>}, {transform_indices = @transform_5, window_bounds = array<i64: 2000, 16>}, {transform_indices = @transform_6, window_bounds = array<i64: 2, 2000, 144>}]} {
    %get3A = arith.constant 0 : index
    %get3A_0 = arith.constant 0 : index
    %get3A_1 = vector.load %arg1[%get3A, %get3A_0] : memref<2000x128xf32, #tpu.memory_space<vmem>>, vector<2000x128xf32>
    %get3A_2 = arith.constant 0 : index
    %get3A_3 = arith.constant 0 : index
    %get3A_4 = vector.load %arg2[%get3A_2, %get3A_3] : memref<128x128xf32, #tpu.memory_space<vmem>>, vector<128x128xf32>
    %dot_general3A = arith.constant dense<0.000000e+00> : vector<2000x128xf32>
    %dot_general3A_5 = tpu.matmul %get3A_1, %get3A_4, %dot_general3A {dimension_numbers = #tpu.dot_dimension_numbers<[1], [0], [0], [1], [0, 0, 1, 1], [], []>, transpose_lhs_hint = false} : vector<2000x128xf32>, vector<128x128xf32>, vector<2000x128xf32> -> vector<2000x128xf32>
    %reshape3A = vector.shape_cast %dot_general3A_5 : vector<2000x128xf32> to vector<2000x8x16xf32>
    %get3A_6 = arith.constant 0 : index
    %get3A_7 = arith.constant 0 : index
    %get3A_8 = vector.load %arg3[%get3A_6, %get3A_7] : memref<8x16xf32, #tpu.memory_space<vmem>>, vector<8x16xf32>
    %broadcast_in_dim3A = vector.shape_cast %get3A_8 : vector<8x16xf32> to vector<1x8x16xf32>
    %mul3A = vector.broadcast %broadcast_in_dim3A : vector<1x8x16xf32> to vector<2000x8x16xf32>
    %mul3A_9 = arith.mulf %reshape3A, %mul3A : vector<2000x8x16xf32>
    %reduce_sum3A = arith.constant dense<0.000000e+00> : vector<2000x8xf32>
    %reduce_sum3A_10 = vector.multi_reduction <add>, %mul3A_9, %reduce_sum3A [2] : vector<2000x8x16xf32> to vector<2000x8xf32>
    %get3A_11 = arith.constant 0 : index
    %get3A_12 = arith.constant 0 : index
    %get3A_13 = vector.load %arg4[%get3A_11, %get3A_12] : memref<8x16xf32, #tpu.memory_space<vmem>>, vector<8x16xf32>
    %broadcast_in_dim3A_14 = vector.shape_cast %get3A_13 : vector<8x16xf32> to vector<1x8x16xf32>
    %mul3A_15 = vector.broadcast %broadcast_in_dim3A_14 : vector<1x8x16xf32> to vector<2000x8x16xf32>
    %mul3A_16 = arith.mulf %reshape3A, %mul3A_15 : vector<2000x8x16xf32>
    %reduce_sum3A_17 = arith.constant dense<0.000000e+00> : vector<2000x8xf32>
    %reduce_sum3A_18 = vector.multi_reduction <add>, %mul3A_16, %reduce_sum3A_17 [2] : vector<2000x8x16xf32> to vector<2000x8xf32>
    %add3A = arith.addf %reduce_sum3A_10, %reduce_sum3A_18 : vector<2000x8xf32>
    %gt3A = arith.constant 0.000000e+00 : f32
    %gt3A_19 = vector.broadcast %gt3A : f32 to vector<2000x8xf32>
    %gt3A_20 = arith.cmpf ogt, %add3A, %gt3A_19 : vector<2000x8xf32>
    %mul3A_21 = arith.constant 2.000000e-01 : f32
    %mul3A_22 = vector.broadcast %mul3A_21 : f32 to vector<2000x8xf32>
    %mul3A_23 = arith.mulf %mul3A_22, %add3A : vector<2000x8xf32>
    %select_n3A = arith.select %gt3A_20, %add3A, %mul3A_23 : vector<2000x8xi1>, vector<2000x8xf32>
    %exp3A = math.exp %select_n3A : vector<2000x8xf32>
    %concatenate3A = tpu.concatenate %dot_general3A_5, %reduce_sum3A_10, %reduce_sum3A_18 in 1 : vector<2000x128xf32>, vector<2000x8xf32>, vector<2000x8xf32> -> vector<2000x144xf32>
    %swap3A = arith.constant 0 : index
    %swap3A_24 = arith.constant 0 : index
    %swap3A_25 = vector.load %arg5[%swap3A, %swap3A_24] : memref<2000x144xf32, #tpu.memory_space<vmem>>, vector<2000x144xf32>
    tpu.vector_store %arg5[%swap3A, %swap3A_24], %concatenate3A {strides = array<i32>} : memref<2000x144xf32, #tpu.memory_space<vmem>>, vector<2000x144xf32>,
    %broadcast_in_dim3A_26 = arith.constant 0.000000e+00 : f32
    %broadcast_in_dim3A_27 = vector.broadcast %broadcast_in_dim3A_26 : f32 to vector<2000x8xf32>
    %concatenate3A_28 = tpu.concatenate %reduce_sum3A_18, %broadcast_in_dim3A_27 in 1 : vector<2000x8xf32>, vector<2000x8xf32> -> vector<2000x16xf32>
    %swap3A_29 = arith.constant 0 : index
    %swap3A_30 = arith.constant 0 : index
    %swap3A_31 = vector.load %arg6[%swap3A_29, %swap3A_30] : memref<2000x16xf32, #tpu.memory_space<vmem>>, vector<2000x16xf32>
    tpu.vector_store %arg6[%swap3A_29, %swap3A_30], %concatenate3A_28 {strides = array<i32>} : memref<2000x16xf32, #tpu.memory_space<vmem>>, vector<2000x16xf32>,
    %broadcast_in_dim3A_32 = vector.shape_cast %exp3A : vector<2000x8xf32> to vector<2000x8x1xf32>
    %mul3A_33 = vector.broadcast %broadcast_in_dim3A_32 : vector<2000x8x1xf32> to vector<2000x8x16xf32>
    %mul3A_34 = arith.mulf %reshape3A, %mul3A_33 : vector<2000x8x16xf32>
    %reshape3A_35 = vector.shape_cast %mul3A_34 : vector<2000x8x16xf32> to vector<2000x128xf32>
    %concatenate3A_36 = tpu.concatenate %reshape3A_35, %exp3A, %broadcast_in_dim3A_27 in 1 : vector<2000x128xf32>, vector<2000x8xf32>, vector<2000x8xf32> -> vector<2000x144xf32>
    %swap3A_37 = arith.constant 0 : index
    %swap3A_38 = arith.constant 0 : index
    %swap3A_39 = arith.constant 0 : index
    %swap3A_40 = vector.load %arg7[%swap3A_37, %swap3A_38, %swap3A_39] : memref<2x2000x144xf32, #tpu.memory_space<vmem>>, vector<1x2000x144xf32>
    %swap3A_41 = vector.shape_cast %swap3A_40 : vector<1x2000x144xf32> to vector<2000x144xf32>
    %swap3A_42 = vector.shape_cast %concatenate3A_36 : vector<2000x144xf32> to vector<1x2000x144xf32>
    tpu.vector_store %arg7[%swap3A_37, %swap3A_38, %swap3A_39], %swap3A_42 {strides = array<i32>} : memref<2x2000x144xf32, #tpu.memory_space<vmem>>, vector<1x2000x144xf32>,
    %broadcast_in_dim3A_43 = arith.constant 0.000000e+00 : f32
    %broadcast_in_dim3A_44 = vector.broadcast %broadcast_in_dim3A_43 : f32 to vector<2000x144xf32>
    %swap3A_45 = arith.constant 1 : index
    %swap3A_46 = arith.constant 0 : index
    %swap3A_47 = arith.constant 0 : index
    %swap3A_48 = vector.load %arg7[%swap3A_45, %swap3A_46, %swap3A_47] : memref<2x2000x144xf32, #tpu.memory_space<vmem>>, vector<1x2000x144xf32>
    %swap3A_49 = vector.shape_cast %swap3A_48 : vector<1x2000x144xf32> to vector<2000x144xf32>
    %swap3A_50 = vector.shape_cast %broadcast_in_dim3A_44 : vector<2000x144xf32> to vector<1x2000x144xf32>
    tpu.vector_store %arg7[%swap3A_45, %swap3A_46, %swap3A_47], %swap3A_50 {strides = array<i32>} : memref<2x2000x144xf32, #tpu.memory_space<vmem>>, vector<1x2000x144xf32>,
    return
  }
  func.func @transform_0(%arg0: i32) -> (i32, i32) {
    %c0_i32 = arith.constant 0 : i32
    %c0_i32_0 = arith.constant 0 : i32
    return %arg0, %c0_i32 : i32, i32
  }
  func.func @transform_1(%arg0: i32) -> (i32, i32) {
    %c0_i32 = arith.constant 0 : i32
    %c0_i32_0 = arith.constant 0 : i32
    %c0_i32_1 = arith.constant 0 : i32
    return %c0_i32, %c0_i32_0 : i32, i32
  }
  func.func @transform_2(%arg0: i32) -> (i32, i32) {
    %c0_i32 = arith.constant 0 : i32
    %c0_i32_0 = arith.constant 0 : i32
    %c0_i32_1 = arith.constant 0 : i32
    return %c0_i32, %c0_i32_0 : i32, i32
  }
  func.func @transform_3(%arg0: i32) -> (i32, i32) {
    %c0_i32 = arith.constant 0 : i32
    %c0_i32_0 = arith.constant 0 : i32
    %c0_i32_1 = arith.constant 0 : i32
    return %c0_i32, %c0_i32_0 : i32, i32
  }
  func.func @transform_4(%arg0: i32) -> (i32, i32) {
    %c0_i32 = arith.constant 0 : i32
    %c0_i32_0 = arith.constant 0 : i32
    return %arg0, %c0_i32 : i32, i32
  }
  func.func @transform_5(%arg0: i32) -> (i32, i32) {
    %c0_i32 = arith.constant 0 : i32
    %c0_i32_0 = arith.constant 0 : i32
    return %arg0, %c0_i32 : i32, i32
  }
  func.func @transform_6(%arg0: i32) -> (i32, i32, i32) {
    %c0_i32 = arith.constant 0 : i32
    %c0_i32_0 = arith.constant 0 : i32
    %c0_i32_1 = arith.constant 0 : i32
    return %c0_i32, %arg0, %c0_i32_0 : i32, i32, i32
  }
}

module attributes {stable_mosaic.version = 14 : i64} {
  func.func @_finish_body(%arg0: i32, %arg1: memref<2x2000x144xf32, #tpu.memory_space<vmem>>, %arg2: memref<1x128xf32, #tpu.memory_space<vmem>>, %arg3: memref<2000x128xf32, #tpu.memory_space<vmem>>) attributes {dimension_semantics = [#tpu.dimension_semantics<arbitrary>], iteration_bounds = array<i64: 5>, scalar_prefetch = 0 : i64, scratch_operands = 0 : i64, tpu.core_type = #tpu.core_type<tc>, window_params = [{transform_indices = @transform_0, window_bounds = array<i64: 2, 2000, 144>}, {pipeline_mode = #tpu.pipeline_mode<synchronous>, transform_indices = @transform_1, window_bounds = array<i64: 1, 128>}, {transform_indices = @transform_2, window_bounds = array<i64: 2000, 128>}]} {
    %get3A = arith.constant 0 : index
    %get3A_0 = arith.constant 0 : index
    %get3A_1 = arith.constant 0 : index
    %get3A_2 = vector.load %arg1[%get3A, %get3A_0, %get3A_1] : memref<2x2000x144xf32, #tpu.memory_space<vmem>>, vector<1x2000x144xf32>
    %get3A_3 = vector.shape_cast %get3A_2 : vector<1x2000x144xf32> to vector<2000x144xf32>
    %get3A_4 = arith.constant 1 : index
    %get3A_5 = arith.constant 0 : index
    %get3A_6 = arith.constant 0 : index
    %get3A_7 = vector.load %arg1[%get3A_4, %get3A_5, %get3A_6] : memref<2x2000x144xf32, #tpu.memory_space<vmem>>, vector<1x2000x144xf32>
    %get3A_8 = vector.shape_cast %get3A_7 : vector<1x2000x144xf32> to vector<2000x144xf32>
    %slice3A = vector.extract_strided_slice %get3A_3 {offsets = [0, 0], sizes = [2000, 128], strides = [1, 1]} : vector<2000x144xf32> to vector<2000x128xf32>
    %slice3A_9 = vector.extract_strided_slice %get3A_8 {offsets = [0, 0], sizes = [2000, 128], strides = [1, 1]} : vector<2000x144xf32> to vector<2000x128xf32>
    %add3A = arith.addf %slice3A, %slice3A_9 : vector<2000x128xf32>
    %slice3A_10 = vector.extract_strided_slice %get3A_3 {offsets = [0, 128], sizes = [2000, 8], strides = [1, 1]} : vector<2000x144xf32> to vector<2000x8xf32>
    %slice3A_11 = vector.extract_strided_slice %get3A_8 {offsets = [0, 128], sizes = [2000, 8], strides = [1, 1]} : vector<2000x144xf32> to vector<2000x8xf32>
    %add3A_12 = arith.addf %slice3A_10, %slice3A_11 : vector<2000x8xf32>
    %reshape3A = vector.shape_cast %add3A : vector<2000x128xf32> to vector<2000x8x16xf32>
    %broadcast_in_dim3A = vector.shape_cast %add3A_12 : vector<2000x8xf32> to vector<2000x8x1xf32>
    %add3A_13 = arith.constant 1.000000e-16 : f32
    %add3A_14 = vector.broadcast %add3A_13 : f32 to vector<2000x8x1xf32>
    %add3A_15 = arith.addf %broadcast_in_dim3A, %add3A_14 : vector<2000x8x1xf32>
    %div3A = vector.broadcast %add3A_15 : vector<2000x8x1xf32> to vector<2000x8x16xf32>
    %div3A_16 = arith.divf %reshape3A, %div3A : vector<2000x8x16xf32>
    %reshape3A_17 = vector.shape_cast %div3A_16 : vector<2000x8x16xf32> to vector<2000x128xf32>
    %get3A_18 = arith.constant 0 : index
    %get3A_19 = arith.constant 0 : index
    %get3A_20 = vector.load %arg2[%get3A_18, %get3A_19] : memref<1x128xf32, #tpu.memory_space<vmem>>, vector<1x128xf32>
    %add3A_21 = vector.broadcast %get3A_20 : vector<1x128xf32> to vector<2000x128xf32>
    %add3A_22 = arith.addf %reshape3A_17, %add3A_21 : vector<2000x128xf32>
    %gt3A = arith.constant 0.000000e+00 : f32
    %gt3A_23 = vector.broadcast %gt3A : f32 to vector<2000x128xf32>
    %gt3A_24 = arith.cmpf ogt, %add3A_22, %gt3A_23 : vector<2000x128xf32>
    %exp3A = math.exp %add3A_22 : vector<2000x128xf32>
    %sub3A = arith.constant 1.000000e+00 : f32
    %sub3A_25 = vector.broadcast %sub3A : f32 to vector<2000x128xf32>
    %sub3A_26 = arith.subf %exp3A, %sub3A_25 : vector<2000x128xf32>
    %select_n3A = arith.select %gt3A_24, %add3A_22, %sub3A_26 : vector<2000x128xi1>, vector<2000x128xf32>
    %swap3A = arith.constant 0 : index
    %swap3A_27 = arith.constant 0 : index
    %swap3A_28 = vector.load %arg3[%swap3A, %swap3A_27] : memref<2000x128xf32, #tpu.memory_space<vmem>>, vector<2000x128xf32>
    tpu.vector_store %arg3[%swap3A, %swap3A_27], %select_n3A {strides = array<i32>} : memref<2000x128xf32, #tpu.memory_space<vmem>>, vector<2000x128xf32>,
    return
  }
  func.func @transform_0(%arg0: i32) -> (i32, i32, i32) {
    %c0_i32 = arith.constant 0 : i32
    %c0_i32_0 = arith.constant 0 : i32
    %c0_i32_1 = arith.constant 0 : i32
    return %c0_i32, %arg0, %c0_i32_0 : i32, i32, i32
  }
  func.func @transform_1(%arg0: i32) -> (i32, i32) {
    %c0_i32 = arith.constant 0 : i32
    %c0_i32_0 = arith.constant 0 : i32
    %c0_i32_1 = arith.constant 0 : i32
    return %c0_i32, %c0_i32_0 : i32, i32
  }
  func.func @transform_2(%arg0: i32) -> (i32, i32) {
    %c0_i32 = arith.constant 0 : i32
    %c0_i32_0 = arith.constant 0 : i32
    return %arg0, %c0_i32 : i32, i32
  }
}

module attributes {stable_mosaic.version = 14 : i64} {
  func.func @_final_body(%arg0: i32, %arg1: memref<2000x128xf32, #tpu.memory_space<vmem>>, %arg2: memref<2000x128xf32, #tpu.memory_space<vmem>>, %arg3: memref<2000x128xf32, #tpu.memory_space<vmem>>, %arg4: memref<128x3xf32, #tpu.memory_space<vmem>>, %arg5: memref<1x3xf32, #tpu.memory_space<vmem>>, %arg6: memref<128x64xf32, #tpu.memory_space<vmem>>, %arg7: memref<1x64xf32, #tpu.memory_space<vmem>>, %arg8: memref<2000x64xf32, #tpu.memory_space<vmem>>) attributes {dimension_semantics = [#tpu.dimension_semantics<arbitrary>], iteration_bounds = array<i64: 5>, scalar_prefetch = 0 : i64, scratch_operands = 0 : i64, tpu.core_type = #tpu.core_type<tc>, window_params = [{transform_indices = @transform_0, window_bounds = array<i64: 2000, 128>}, {transform_indices = @transform_1, window_bounds = array<i64: 2000, 128>}, {transform_indices = @transform_2, window_bounds = array<i64: 2000, 128>}, {pipeline_mode = #tpu.pipeline_mode<synchronous>, transform_indices = @transform_3, window_bounds = array<i64: 128, 3>}, {pipeline_mode = #tpu.pipeline_mode<synchronous>, transform_indices = @transform_4, window_bounds = array<i64: 1, 3>}, {pipeline_mode = #tpu.pipeline_mode<synchronous>, transform_indices = @transform_5, window_bounds = array<i64: 128, 64>}, {pipeline_mode = #tpu.pipeline_mode<synchronous>, transform_indices = @transform_6, window_bounds = array<i64: 1, 64>}, {transform_indices = @transform_7, window_bounds = array<i64: 2000, 64>}]} {
    %broadcast_in_dim3A = arith.constant 0.000000e+00 : f32
    %broadcast_in_dim3A_0 = vector.broadcast %broadcast_in_dim3A : f32 to vector<2000x128xf32>
    %get3A = arith.constant 0 : index
    %get3A_1 = arith.constant 0 : index
    %get3A_2 = vector.load %arg1[%get3A, %get3A_1] : memref<2000x128xf32, #tpu.memory_space<vmem>>, vector<2000x128xf32>
    %get3A_3 = arith.constant 0 : index
    %get3A_4 = arith.constant 0 : index
    %get3A_5 = vector.load %arg4[%get3A_3, %get3A_4] : memref<128x3xf32, #tpu.memory_space<vmem>>, vector<128x3xf32>
    %slice3A = vector.extract_strided_slice %get3A_5 {offsets = [0, 0], sizes = [128, 1], strides = [1, 1]} : vector<128x3xf32> to vector<128x1xf32>
    %dot_general3A = arith.constant dense<0.000000e+00> : vector<2000x1xf32>
    %dot_general3A_6 = tpu.matmul %get3A_2, %slice3A, %dot_general3A {dimension_numbers = #tpu.dot_dimension_numbers<[1], [0], [0], [1], [0, 0, 1, 1], [], []>, transpose_lhs_hint = false} : vector<2000x128xf32>, vector<128x1xf32>, vector<2000x1xf32> -> vector<2000x1xf32>
    %get3A_7 = arith.constant 0 : index
    %get3A_8 = arith.constant 0 : index
    %get3A_9 = vector.load %arg5[%get3A_7, %get3A_8] : memref<1x3xf32, #tpu.memory_space<vmem>>, vector<1x1xf32>
    %get3A_10 = vector.extract %get3A_9[0, 0] : f32 from vector<1x1xf32>
    %add3A = vector.broadcast %get3A_10 : f32 to vector<2000x1xf32>
    %add3A_11 = arith.addf %dot_general3A_6, %add3A : vector<2000x1xf32>
    %neg3A = arith.constant 0.000000e+00 : f32
    %neg3A_12 = vector.broadcast %neg3A : f32 to vector<2000x1xf32>
    %neg3A_13 = arith.subf %neg3A_12, %add3A_11 : vector<2000x1xf32>
    %exp3A = math.exp %neg3A_13 : vector<2000x1xf32>
    %add3A_14 = arith.constant 1.000000e+00 : f32
    %add3A_15 = vector.broadcast %add3A_14 : f32 to vector<2000x1xf32>
    %add3A_16 = arith.addf %add3A_15, %exp3A : vector<2000x1xf32>
    %div3A = arith.constant 1.000000e+00 : f32
    %div3A_17 = vector.broadcast %div3A : f32 to vector<2000x1xf32>
    %div3A_18 = arith.divf %div3A_17, %add3A_16 : vector<2000x1xf32>
    %get3A_19 = arith.constant 0 : index
    %get3A_20 = arith.constant 0 : index
    %get3A_21 = vector.load %arg1[%get3A_19, %get3A_20] : memref<2000x128xf32, #tpu.memory_space<vmem>>, vector<2000x128xf32>
    %mul3A = vector.broadcast %div3A_18 : vector<2000x1xf32> to vector<2000x128xf32>
    %mul3A_22 = arith.mulf %get3A_21, %mul3A : vector<2000x128xf32>
    %add3A_23 = arith.addf %broadcast_in_dim3A_0, %mul3A_22 : vector<2000x128xf32>
    %get3A_24 = arith.constant 0 : index
    %get3A_25 = arith.constant 0 : index
    %get3A_26 = vector.load %arg2[%get3A_24, %get3A_25] : memref<2000x128xf32, #tpu.memory_space<vmem>>, vector<2000x128xf32>
    %get3A_27 = arith.constant 0 : index
    %get3A_28 = arith.constant 0 : index
    %get3A_29 = vector.load %arg4[%get3A_27, %get3A_28] : memref<128x3xf32, #tpu.memory_space<vmem>>, vector<128x3xf32>
    %slice3A_30 = vector.extract_strided_slice %get3A_29 {offsets = [0, 1], sizes = [128, 1], strides = [1, 1]} : vector<128x3xf32> to vector<128x1xf32>
    %dot_general3A_31 = arith.constant dense<0.000000e+00> : vector<2000x1xf32>
    %dot_general3A_32 = tpu.matmul %get3A_26, %slice3A_30, %dot_general3A_31 {dimension_numbers = #tpu.dot_dimension_numbers<[1], [0], [0], [1], [0, 0, 1, 1], [], []>, transpose_lhs_hint = false} : vector<2000x128xf32>, vector<128x1xf32>, vector<2000x1xf32> -> vector<2000x1xf32>
    %get3A_33 = arith.constant 0 : index
    %get3A_34 = arith.constant 1 : index
    %get3A_35 = vector.load %arg5[%get3A_33, %get3A_34] : memref<1x3xf32, #tpu.memory_space<vmem>>, vector<1x1xf32>
    %get3A_36 = vector.extract %get3A_35[0, 0] : f32 from vector<1x1xf32>
    %add3A_37 = vector.broadcast %get3A_36 : f32 to vector<2000x1xf32>
    %add3A_38 = arith.addf %dot_general3A_32, %add3A_37 : vector<2000x1xf32>
    %neg3A_39 = arith.constant 0.000000e+00 : f32
    %neg3A_40 = vector.broadcast %neg3A_39 : f32 to vector<2000x1xf32>
    %neg3A_41 = arith.subf %neg3A_40, %add3A_38 : vector<2000x1xf32>
    %exp3A_42 = math.exp %neg3A_41 : vector<2000x1xf32>
    %add3A_43 = arith.constant 1.000000e+00 : f32
    %add3A_44 = vector.broadcast %add3A_43 : f32 to vector<2000x1xf32>
    %add3A_45 = arith.addf %add3A_44, %exp3A_42 : vector<2000x1xf32>
    %div3A_46 = arith.constant 1.000000e+00 : f32
    %div3A_47 = vector.broadcast %div3A_46 : f32 to vector<2000x1xf32>
    %div3A_48 = arith.divf %div3A_47, %add3A_45 : vector<2000x1xf32>
    %get3A_49 = arith.constant 0 : index
    %get3A_50 = arith.constant 0 : index
    %get3A_51 = vector.load %arg2[%get3A_49, %get3A_50] : memref<2000x128xf32, #tpu.memory_space<vmem>>, vector<2000x128xf32>
    %mul3A_52 = vector.broadcast %div3A_48 : vector<2000x1xf32> to vector<2000x128xf32>
    %mul3A_53 = arith.mulf %get3A_51, %mul3A_52 : vector<2000x128xf32>
    %add3A_54 = arith.addf %add3A_23, %mul3A_53 : vector<2000x128xf32>
    %get3A_55 = arith.constant 0 : index
    %get3A_56 = arith.constant 0 : index
    %get3A_57 = vector.load %arg3[%get3A_55, %get3A_56] : memref<2000x128xf32, #tpu.memory_space<vmem>>, vector<2000x128xf32>
    %get3A_58 = arith.constant 0 : index
    %get3A_59 = arith.constant 0 : index
    %get3A_60 = vector.load %arg4[%get3A_58, %get3A_59] : memref<128x3xf32, #tpu.memory_space<vmem>>, vector<128x3xf32>
    %slice3A_61 = vector.extract_strided_slice %get3A_60 {offsets = [0, 2], sizes = [128, 1], strides = [1, 1]} : vector<128x3xf32> to vector<128x1xf32>
    %dot_general3A_62 = arith.constant dense<0.000000e+00> : vector<2000x1xf32>
    %dot_general3A_63 = tpu.matmul %get3A_57, %slice3A_61, %dot_general3A_62 {dimension_numbers = #tpu.dot_dimension_numbers<[1], [0], [0], [1], [0, 0, 1, 1], [], []>, transpose_lhs_hint = false} : vector<2000x128xf32>, vector<128x1xf32>, vector<2000x1xf32> -> vector<2000x1xf32>
    %get3A_64 = arith.constant 0 : index
    %get3A_65 = arith.constant 2 : index
    %get3A_66 = vector.load %arg5[%get3A_64, %get3A_65] : memref<1x3xf32, #tpu.memory_space<vmem>>, vector<1x1xf32>
    %get3A_67 = vector.extract %get3A_66[0, 0] : f32 from vector<1x1xf32>
    %add3A_68 = vector.broadcast %get3A_67 : f32 to vector<2000x1xf32>
    %add3A_69 = arith.addf %dot_general3A_63, %add3A_68 : vector<2000x1xf32>
    %neg3A_70 = arith.constant 0.000000e+00 : f32
    %neg3A_71 = vector.broadcast %neg3A_70 : f32 to vector<2000x1xf32>
    %neg3A_72 = arith.subf %neg3A_71, %add3A_69 : vector<2000x1xf32>
    %exp3A_73 = math.exp %neg3A_72 : vector<2000x1xf32>
    %add3A_74 = arith.constant 1.000000e+00 : f32
    %add3A_75 = vector.broadcast %add3A_74 : f32 to vector<2000x1xf32>
    %add3A_76 = arith.addf %add3A_75, %exp3A_73 : vector<2000x1xf32>
    %div3A_77 = arith.constant 1.000000e+00 : f32
    %div3A_78 = vector.broadcast %div3A_77 : f32 to vector<2000x1xf32>
    %div3A_79 = arith.divf %div3A_78, %add3A_76 : vector<2000x1xf32>
    %get3A_80 = arith.constant 0 : index
    %get3A_81 = arith.constant 0 : index
    %get3A_82 = vector.load %arg3[%get3A_80, %get3A_81] : memref<2000x128xf32, #tpu.memory_space<vmem>>, vector<2000x128xf32>
    %mul3A_83 = vector.broadcast %div3A_79 : vector<2000x1xf32> to vector<2000x128xf32>
    %mul3A_84 = arith.mulf %get3A_82, %mul3A_83 : vector<2000x128xf32>
    %add3A_85 = arith.addf %add3A_54, %mul3A_84 : vector<2000x128xf32>
    %get3A_86 = arith.constant 0 : index
    %get3A_87 = arith.constant 0 : index
    %get3A_88 = vector.load %arg6[%get3A_86, %get3A_87] : memref<128x64xf32, #tpu.memory_space<vmem>>, vector<128x64xf32>
    %dot_general3A_89 = arith.constant dense<0.000000e+00> : vector<2000x64xf32>
    %dot_general3A_90 = tpu.matmul %add3A_85, %get3A_88, %dot_general3A_89 {dimension_numbers = #tpu.dot_dimension_numbers<[1], [0], [0], [1], [0, 0, 1, 1], [], []>, transpose_lhs_hint = false} : vector<2000x128xf32>, vector<128x64xf32>, vector<2000x64xf32> -> vector<2000x64xf32>
    %get3A_91 = arith.constant 0 : index
    %get3A_92 = arith.constant 0 : index
    %get3A_93 = vector.load %arg7[%get3A_91, %get3A_92] : memref<1x64xf32, #tpu.memory_space<vmem>>, vector<1x64xf32>
    %add3A_94 = vector.broadcast %get3A_93 : vector<1x64xf32> to vector<2000x64xf32>
    %add3A_95 = arith.addf %dot_general3A_90, %add3A_94 : vector<2000x64xf32>
    %reduce_max3A = arith.constant dense<0xFF800000> : vector<2000xf32>
    %reduce_max3A_96 = vector.multi_reduction <maximumf>, %add3A_95, %reduce_max3A [1] : vector<2000x64xf32> to vector<2000xf32>
    %broadcast_in_dim3A_97 = vector.shape_cast %reduce_max3A_96 : vector<2000xf32> to vector<2000x1xf32>
    %sub3A = vector.broadcast %broadcast_in_dim3A_97 : vector<2000x1xf32> to vector<2000x64xf32>
    %sub3A_98 = arith.subf %add3A_95, %sub3A : vector<2000x64xf32>
    %exp3A_99 = math.exp %sub3A_98 : vector<2000x64xf32>
    %reduce_sum3A = arith.constant dense<0.000000e+00> : vector<2000xf32>
    %reduce_sum3A_100 = vector.multi_reduction <add>, %exp3A_99, %reduce_sum3A [1] : vector<2000x64xf32> to vector<2000xf32>
    %broadcast_in_dim3A_101 = vector.shape_cast %reduce_sum3A_100 : vector<2000xf32> to vector<2000x1xf32>
    %log3A = math.log %broadcast_in_dim3A_101 : vector<2000x1xf32>
    %sub3A_102 = vector.broadcast %log3A : vector<2000x1xf32> to vector<2000x64xf32>
    %sub3A_103 = arith.subf %sub3A_98, %sub3A_102 : vector<2000x64xf32>
    %swap3A = arith.constant 0 : index
    %swap3A_104 = arith.constant 0 : index
    %swap3A_105 = vector.load %arg8[%swap3A, %swap3A_104] : memref<2000x64xf32, #tpu.memory_space<vmem>>, vector<2000x64xf32>
    tpu.vector_store %arg8[%swap3A, %swap3A_104], %sub3A_103 {strides = array<i32>} : memref<2000x64xf32, #tpu.memory_space<vmem>>, vector<2000x64xf32>,
    return
  }
  func.func @transform_0(%arg0: i32) -> (i32, i32) {
    %c0_i32 = arith.constant 0 : i32
    %c0_i32_0 = arith.constant 0 : i32
    return %arg0, %c0_i32 : i32, i32
  }
  func.func @transform_1(%arg0: i32) -> (i32, i32) {
    %c0_i32 = arith.constant 0 : i32
    %c0_i32_0 = arith.constant 0 : i32
    return %arg0, %c0_i32 : i32, i32
  }
  func.func @transform_2(%arg0: i32) -> (i32, i32) {
    %c0_i32 = arith.constant 0 : i32
    %c0_i32_0 = arith.constant 0 : i32
    return %arg0, %c0_i32 : i32, i32
  }
  func.func @transform_3(%arg0: i32) -> (i32, i32) {
    %c0_i32 = arith.constant 0 : i32
    %c0_i32_0 = arith.constant 0 : i32
    %c0_i32_1 = arith.constant 0 : i32
    return %c0_i32, %c0_i32_0 : i32, i32
  }
  func.func @transform_4(%arg0: i32) -> (i32, i32) {
    %c0_i32 = arith.constant 0 : i32
    %c0_i32_0 = arith.constant 0 : i32
    %c0_i32_1 = arith.constant 0 : i32
    return %c0_i32, %c0_i32_0 : i32, i32
  }
  func.func @transform_5(%arg0: i32) -> (i32, i32) {
    %c0_i32 = arith.constant 0 : i32
    %c0_i32_0 = arith.constant 0 : i32
    %c0_i32_1 = arith.constant 0 : i32
    return %c0_i32, %c0_i32_0 : i32, i32
  }
  func.func @transform_6(%arg0: i32) -> (i32, i32) {
    %c0_i32 = arith.constant 0 : i32
    %c0_i32_0 = arith.constant 0 : i32
    %c0_i32_1 = arith.constant 0 : i32
    return %c0_i32, %c0_i32_0 : i32, i32
  }
  func.func @transform_7(%arg0: i32) -> (i32, i32) {
    %c0_i32 = arith.constant 0 : i32
    %c0_i32_0 = arith.constant 0 : i32
    return %arg0, %c0_i32 : i32, i32
  }
}

</mosaic_0001>

<sc_bundles>
// kernel: kernel.12.cloned.1.call-start
scs
__scs_entry_jumppad:
0x0: {  	(pc) =	sbr.rel $0x88, $3  }
0x1: {  	(tag) =	ssettag $0x0;
	lr =	simm.s32 $0x1  }
0x2: {  	[smem:$0x3F8B] =	sst lr;
	_ =	strace $0xD0000000  }
0x3: {  	_ = 	snop  }
0x4: {  	_ = 	snop  }
0x5: {  	_ = 	snop  }
0x6: {  	_ = 	snop  }
0x7: {  	_ = 	snop  }
__scs_overlays_trampoline_lowered:
0x8: {  	[smem:$0x3F9A] =	sst s0  }
0x9: {  	[smem:$0x3F9B] =	sst s1  }
0xa: {  	[smem:$0x3F9C] =	sst s2  }
0xb: {  	[smem:$0x3F9D] =	sst s3  }
0xc: {  	[smem:$0x3F9E] =	sst s4  }
0xd: {  	[smem:$0x3F9F] =	sst s5  }
0xe: {  	[smem:$0x3FA0] =	sst s6  }
0xf: {  	[smem:$0x3FA1] =	sst s7  }
0x10: {  	[smem:$0x3FA2] =	sst s8  }
0x11: {  	[smem:$0x3FA3] =	sst s9;
	s0 =	simm.s32 @!p0 $0x0  }
0x12: {  	s1 =	sld [smem:$0x3F89];
	s0 =	simm.s32 @p0 $0x1  }
0x13: {  	[smem:$0x3FA4] =	sst s0;
	s0 =	simm.s32 @!p1 $0x0  }
0x14: {  	s2 =	sld [smem:$0x3F88];
	s0 =	simm.s32 @p1 $0x1  }
0x15: {  	[smem:$0x3FA5] =	sst s0;
	s0 =	simm.s32 @!p2 $0x0  }
0x16: {  	s3 =	sld [smem:$0x3FDB];
	s0 =	simm.s32 @p2 $0x1  }
0x17: {  	s4 =	simm.s32 $0x1BF5;
	[smem:$0x3FA7] =	sst s0  }
0x18: {  	s0 =	sld [smem:$0x3F8A];
	_ =	swait.ge [sflag:s4], $0x0  }
0x19: {  	s7 =	sld [smem:$0x3F8B]  }
0x1a: {  	s8 =	sadd.s32 $0xFFFFE003, lr  }
0x1b: {  	s9 =	sadd.s32 $0xFFFFFEF7, lr;
	s5 =	simm.s32 $0xFFFFFFFF;
	p2 =	slt.u32 s8, $0xFFFFF086  }
0x1c: {  	p1 =	slt.u32 s9, $0xF7A;
	s5 =	simm.s32 @!p2 $0x0  }
0x1d: {  	s5 =	simm.s32 @p1 $0x1;
	p0 =	seq.s32 s7, s2  }
0x1e: {  	s7 =	smul.u32 @!p0 $0xF7A, s2;
	p2 =	seq.s32 @!p0 s5, $0x0  }
0x1f: {  	s9 =	smul.u32 $0xF7A, s1;
	s8 =	simm.s32 @!p0 $0x1BF5;
	p2 =	por !p2, p0  }
0x20: {  	[sflag:s8] =	ssyncset.s32 @!p0 $0xFFFFF086;
	s6 =	sadd.s32 @!p0 s3, s7;
	s7 =	simm.s32 @!p0 $0x108  }
0x21: {  	s3 =	sadd.s32 s3, s9;
	s6 =	sadd.s32 @!p0 $0x88, s6;
	s7 =	simm.s32 @p2 $0x1082  }
0x22: {  	[simem:s7], [sflag:s8] =	dma.local @!p0 [hbm:s6], $0xF7A  }
0x23: {  	s9 =	sor.u32 $0xD0000000, s2;
	s6 =	simm.s32 $0x108;
	_ =	swait.ge @!p0 [sflag:s8], $0x0  }
0x24: {  	s3 =	sadd.s32 $0x88, s3;
	s6 =	simm.s32 @!p1 $0x1082;
	[sflag:s4] =	ssyncset.s32 $0xFFFFF086  }
0x25: {  	[simem:s6], [sflag:s4] =	dma.local [hbm:s3], $0xF7A  }
0x26: {  	[smem:$0x3F8B] =	sst s1;
	(tag) =	ssettag s2;
	_ =	strace s9  }
0x27: {  	s1 =	sld [smem:$0x3F9B]  }
0x28: {  	s2 =	sld [smem:$0x3F9C]  }
0x29: {  	s4 =	sld [smem:$0x3F9E]  }
0x2a: {  	p0 =	seq.s32 s5, $0x0;
	s5 =	sld [smem:$0x3F9F]  }
0x2b: {  	s6 =	sld [smem:$0x3FA0]  }
0x2c: {  	s7 =	sld [smem:$0x3FA1]  }
0x2d: {  	s3 =	simm.s32 $0x108;
	s8 =	sld [smem:$0x3FA2]  }
0x2e: {  	s3 =	simm.s32 @!p0 $0x1082;
	s9 =	sld [smem:$0x3FA3]  }
0x2f: {  	lr =	sadd.s32 s0, s3;
	s0 =	sld [smem:$0x3F9A]  }
0x30: {  	s3 =	sld [smem:$0x3F9D]  }
0x31: {  	[smem:$0x3FA6] =	sst s10  }
0x32: {  	s10 =	sld [smem:$0x3FA4];
	_ =	sdelay $0x3  }
0x33: {  	p0 =	seq.s32 s10, $0x1;
	s10 =	sld [smem:$0x3FA6];
	_ =	sdelay $0x3  }
0x34: {  	[smem:$0x3FA6] =	sst s10  }
0x35: {  	s10 =	sld [smem:$0x3FA5];
	_ =	sdelay $0x3  }
0x36: {  	p1 =	seq.s32 s10, $0x1;
	s10 =	sld [smem:$0x3FA6];
	_ =	sdelay $0x3  }
0x37: {  	[smem:$0x3FA6] =	sst s10  }
0x38: {  	s10 =	sld [smem:$0x3FA7]  }
0x39: {  	_ = 	snop;
	(pc) =	sbr.ind lr, $3  }
0x3a: {  	_ = 	snop  }
0x3b: {  	_ = 	snop  }
0x3c: {  	p2 =	seq.s32 s10, $0x1;
	s10 =	sld [smem:$0x3FA6]  }
0x3d: {  	_ =	shalt  }
0x3e: {  	_ =	shalt  }
0x3f: {  	_ =	shalt  }
0x40: {  	_ =	shalt  }
0x41: {  	_ =	shalt  }
0x42: {  	_ =	shalt  }
0x43: {  	_ =	shalt  }
0x44: {  	_ =	shalt  }
0x45: {  	_ =	shalt  }
0x46: {  	_ =	shalt  }
0x47: {  	_ =	shalt  }
0x48: {  	_ =	shalt  }
0x49: {  	_ =	shalt  }
0x4a: {  	_ =	shalt  }
0x4b: {  	_ =	shalt  }
0x4c: {  	_ =	shalt  }
0x4d: {  	_ =	shalt  }
0x4e: {  	_ =	shalt  }
0x4f: {  	_ =	shalt  }
0x50: {  	_ =	shalt  }
0x51: {  	_ =	shalt  }
0x52: {  	_ =	shalt  }
0x53: {  	_ =	shalt  }
0x54: {  	_ =	shalt  }
0x55: {  	_ =	shalt  }
0x56: {  	_ =	shalt  }
0x57: {  	_ =	shalt  }
0x58: {  	_ =	shalt  }
0x59: {  	_ =	shalt  }
0x5a: {  	_ =	shalt  }
0x5b: {  	_ =	shalt  }
0x5c: {  	_ =	shalt  }
0x5d: {  	_ =	shalt  }
0x5e: {  	_ =	shalt  }
0x5f: {  	_ =	shalt  }
0x60: {  	_ =	shalt  }
0x61: {  	_ =	shalt  }
0x62: {  	_ =	shalt  }
0x63: {  	_ =	shalt  }
0x64: {  	_ =	shalt  }
0x65: {  	_ =	shalt  }
0x66: {  	_ =	shalt  }
0x67: {  	_ =	shalt  }
0x68: {  	_ =	shalt  }
0x69: {  	_ =	shalt  }
0x6a: {  	_ =	shalt  }
0x6b: {  	_ =	shalt  }
0x6c: {  	_ =	shalt  }
0x6d: {  	_ =	shalt  }
0x6e: {  	_ =	shalt  }
0x6f: {  	_ =	shalt  }
0x70: {  	_ =	shalt  }
0x71: {  	_ =	shalt  }
0x72: {  	_ =	shalt  }
0x73: {  	_ =	shalt  }
0x74: {  	_ =	shalt  }
0x75: {  	_ =	shalt  }
0x76: {  	_ =	shalt  }
0x77: {  	_ =	shalt  }
0x78: {  	_ =	shalt  }
0x79: {  	_ =	shalt  }
0x7a: {  	_ =	shalt  }
0x7b: {  	_ =	shalt  }
0x7c: {  	_ =	shalt  }
0x7d: {  	_ =	shalt  }
0x7e: {  	_ =	shalt  }
0x7f: {  	_ =	shalt  }
0x80: {  	_ =	shalt  }
0x81: {  	_ =	shalt  }
0x82: {  	_ =	shalt  }
0x83: {  	_ =	shalt  }
0x84: {  	_ =	shalt  }
0x85: {  	_ =	shalt  }
0x86: {  	_ =	shalt  }
0x87: {  	_ =	shalt  }
.Lfunc_end0:
.L_simem_size_0:
called_computation_lowered:
.L_overlay_start_0:
0x88: {  	s2 =	sld [smem:$0x3FD9]  }
0x89: {  	s3 =	sld [smem:$0x3FFE];
	_ =	sdelay $0x1  }
0x8a: {  	s1 =	srdreg.scid  }
0x8b: {  	s0 =	sand.u32 $0x1, s1  }
0x8c: {  	s17 =	sshll.u32 s0, $0xA;
	s2 =	sadd.s32 s3, s2  }
0x8d: {  	s2 =	sadd.s32 s2, s17  }
0x8e: {  	[smem:$0x3FB2] =	sst s2  }
0x8f: {  	_ = 	snop  }
0x90: {  	s2 =	sld [smem:$0x3FD0];
	(tm) =	ssettm $0x1  }
0x91: {  	s18 =	sld [smem:$0x3FFB];
	_ =	sdelay $0x3  }
0x92: {  	_ =	strace s18  }
0x93: {  	s3 =	sld [smem:$0x3FFC];
	_ =	sdelay $0x3  }
0x94: {  	_ =	strace s3  }
0x95: {  	s3 =	sld [smem:$0x3FFD];
	_ =	sdelay $0x3  }
0x96: {  	_ =	strace s3  }
0x97: {  	_ =	strace $0x8FFFFFFF  }
0x98: {  	s19 =	sld [smem:$0x3FDB];
	_ =	sdelay $0x1  }
0x99: {  	s4 =	simm.s32 $_scs_section_size  }
0x9a: {  	s5 =	simm.s32 $_size__tile_overlayer_lowered;
	s6 =	simm.s32 $_tile_overlayer_lowered  }
0x9b: {  	s22 =	simm.s32 $0x1BFF;
	s21 =	sshll.u32 s6, $0x1;
	s3 =	sadd.s32 s4, s19  }
0x9c: {  	s7 =	simm.s32 $0x0;
	s20 =	sshll.u32 s5, $0x1;
	s5 =	sadd.s32 s21, s3  }
0x9d: {  	[timem:s7], [sflag:s22] =	dma.local [hbm:s5], s20  }
0x9e: {  	_ =	swait.ge [sflag:s22], s20  }
0x9f: {  	s4 =	ssub.s32 $0x0, s20;
	[sflag:s22] =	ssyncset.done $0x0  }
0xa0: {  	[sflag:s22] =	ssyncadd.s32 s4;
	_ =	sdelay $0x1  }
0xa1: {  	s23 =	simm.s32 $0x1B8B  }
0xa2: {  	_ =	swait.ge [sflag:s23], $0x1  }
0xa3: {  	[sflag:s23] =	ssyncset.done $0x0  }
0xa4: {  	s25 =	simm.s32 $0x1B8E;
	s24 =	sld [smem:$0x3FFE];
	[sflag:s23] =	ssyncadd.s32 $0xFFFFFFFF  }
0xa5: {  	s26 =	simm.s32 $execute0_lowered;
	[smem:$0x3FD2] =	sst s25  }
0xa6: {  	s5 =	sshll.u32 s26, $0x1;
	_ =	strace $0x80000046;
	[dreg:$0x1] =	wrdreg $0xFFFFFFFF  }
0xa7: {  	s28 =	simm.s32 $_size_execute0_lowered;
	s3 =	sadd.s32 s3, s5;
	[dreg:$0x0] =	wrdreg $0x0  }
0xa8: {  	s5 =	sshll.u32 s28, $0x1;
	[dreg:$0x2] =	wrdreg s3  }
0xa9: {  	[dreg:$0x3] =	wrdreg s5  }
0xaa: {  	[dreg:$0x4] =	wrdreg $0xC0  }
0xab: {  	_ =	task [dreg:s7], $0x5FFFF  }
0xac: {  	[dreg:$0x1] =	wrdreg $0xFFFFFFFF  }
0xad: {  	[dreg:$0x0] =	wrdreg $0x60  }
0xae: {  	[dreg:$0x2] =	wrdreg s24  }
0xaf: {  	[dreg:$0x3] =	wrdreg s2  }
0xb0: {  	[dreg:$0x4] =	wrdreg $0x0  }
0xb1: {  	[dreg:$0x5] =	wrdreg $0x9  }
0xb2: {  	_ =	task.clear_ibuf [dreg:s7], $0x6FFFF;
	_ =	strace $0x90000046  }
0xb3: {  	s29 =	simm.s32 $0x9;
	_ =	strace $0x80000048  }
0xb4: {  	_ =	swait.ge [sflag:s29], $0x1  }
0xb5: {  	[sflag:s29] =	ssyncadd.s32 $0xFFFFFFFF  }
0xb6: {  	_ =	strace $0x90000048  }
0xb7: {  	_ =	sfence  }
0xb8: {  	s30 =	sld [smem:$0x0];
	_ =	sdelay $0x2  }
0xb9: {  	s31 =	sshll.u32 s1, $0xD;
	s1 =	sshrl.u32 s1, $0x2  }
0xba: {  	s3 =	sand.u32 $0x4000, s31;
	s1 =	sadd.s32 s1, s30  }
0xbb: {  	s0 =	sor.u32 s3, s0;
	s1 =	sshll.u32 s1, $0x11  }
0xbc: {  	s0 =	sor.u32 s1, s0  }
0xbd: {  	s0 =	sadd.s32 $0x8F2B, s0  }
0xbe: {  	[sflag:s0] =	ssyncadd.remote.s32 $0x1  }
0xbf: {  	_ =	sfence.sel $0xFFFF  }
0xc0: {  	[dreg:$0x0] =	wrdreg $0xFFFFFFFF;
	(pc) =	sbr.abs _section_cstart, $3  }
0xc1: {  	[dreg:$0x1] =	wrdreg $0xFFFFFFFF  }
0xc2: {  	_ =	task.clear_ibuf [dreg:s7], $0x2FFFF;
	_ =	strace $0x9FFFFFFF  }
0xc3: {  	(tm) =	ssettm $0x7FFFFFFF  }
tec
execute0_lowered:
.L_overlay_start_1:
0x0: {  	(tag) =	ssettag $0x1  }
0x1: {  	s0 =	rddreg [dreg:$0x0]  }
0x2: {  	s1 =	rddreg [dreg:$0x1]  }
0x3: {  	s2 =	rddreg [dreg:$0x2];
	s4 =	simm.s32 $0x0  }
0x4: {  	s3 =	srdreg.scid;
	s13 =	stileid.u32;
	s28 =	simm.s32 $0x18F88  }
0x5: {  	s29 =	simm.s32 $0x18FB0;
	s30 =	simm.s32 $0x1A630;
	s31 =	simm.s32 $0x1  }
0x6: {  	[smem:$0x7FF] =	sst s4;
	s3 =	sand.u32 $0x1, s3;
	s8 =	smul.u32 $0x15F90, s13  }
0x7: {  	s5 =	sadd.s32 $0x9F400, s0;
	s6 =	sadd.s32 $0xCB400, s0;
	s7 =	sadd.s32 $0xD0400, s0  }
0x8: {  	s18 =	sshll.u32 s13, $0x6;
	s19 =	smul.u32 $0x2710, s13;
	_ =	strace $0x80000047  }
0x9: {  	s9 =	smul.u32 $0x15F900, s3;
	s10 =	sshll.u32 s3, $0x4;
	s11 =	ssub.s32 $0x2, s3  }
0xa: {  	s3 =	smul.u32 $0x27100, s3;
	s10 =	sor.u32 s13, s10;
	s12 =	sshrl.u32 s11, $0x1  }
0xb: {  	s9 =	sadd.s32 s8, s9;
	s10 =	smul.u32 $0x2710, s10;
	s11 =	ssub.s32 s11, s12  }
0xc: {  	s8 =	sadd.s32 s8, s2;
	s3 =	sadd.s32 s19, s3;
	s9 =	sshrl.u32 s9, $0x3  }
0xd: {  	s23 =	sadd.s32 $0x78, s3;
	s26 =	smax.u32 s11, $0x1;
	s19 =	sshrl.u32 s8, $0x3  }
0xe: {  	s8 =	simm.s32 $0x1A8B0;
	s0 =	sadd.s32 s9, s0;
	s9 =	sor.u32 $0x1C03, s18  }
0xf: {  	s21 =	sshrl.u32 s10, $0x3;
	s10 =	sadd.s32 $0x28, s10;
	s25 =	sshrl.u32 s23, $0x3  }
0x10: {  	[dreg:$0xa] =	wrdreg s26;
	s18 =	sadd.s32 $0x50, s3;
	s23 =	simm.s32 $0x28  }
0x11: {  	s26 =	simm.s32 $0x18F60;
	s3 =	simm.s32 $0x178E0;
	s20 =	sadd.s32 $0xDA200, s0  }
0x12: {  	s14 =	sadd.s32 s1, s21;
	s22 =	sadd.s32 s7, s21;
	s10 =	sshrl.u32 s10, $0x3  }
0x13: {  	s0 =	sadd.s32 $0x3000, s0;
	s16 =	sadd.s32 s25, s7;
	[dreg:$0x4] =	wrdreg s20  }
0x14: {  	s17 =	sadd.s32 s25, s1;
	s21 =	simm.s32 $0x15F90;
	[dreg:$0x5] =	wrdreg s14  }
0x15: {  	s25 =	simm.s32 $0x17660;
	[dreg:$0x6] =	wrdreg s22;
	s24 =	sadd.s32 s1, s10  }
0x16: {  	s10 =	sadd.s32 s7, s10;
	[dreg:$0x9] =	wrdreg s0;
	s20 =	simm.s32 $0x3  }
0x17: {  	s22 =	simm.s32 $0x15FB8;
	s0 =	simm.s32 $0x2;
	[dreg:$0x7] =	wrdreg s24  }
0x18: {  	[dreg:$0x8] =	wrdreg s10;
	s24 =	simm.s32 $0x15FE0;
	s10 =	simm.s32 $0x0  }
.LBB2_1:
0x19: {  	s11 =	rddreg [dreg:$0x4]  }
0x1a: {  	[spmem:s19], [sflag:s9] =	dma.local [hbm:s11], $0x2BF2  }
0x1b: {  	_ =	swait.ge [sflag:s20], $0x2BF2  }
0x1c: {  	[sflag:s20] =	ssyncset.done $0x0  }
0x1d: {  	[sflag:s20] =	ssyncadd.s32 $0xFFFFD40E  }
0x1e: {  	[bflag:$0x0] =	sbarrier.arrive $0xFFFF  }
0x1f: {  	s13 =	rddreg [dreg:$0x5]  }
0x20: {  	[tilespmem:s21], [sflag:$0x3] =	stream.linear.gather [hbm4b:s13+s4], $0x28, $0x38;
	[tilespmem:$0x1BF30] =	vst v63  }
0x21: {  	_ =	swait.ge [sflag:s20], $0x28  }
0x22: {  	[sflag:s20] =	ssyncset.done $0x0  }
0x23: {  	s14 =	rddreg [dreg:$0x6];
	[sflag:s20] =	ssyncadd.s32 $0xFFFFFFD8  }
0x24: {  	[tilespmem:s22], [sflag:$0x3] =	stream.linear.gather [hbm4b:s14+s4], $0x28, $0x38;
	[tilespmem:$0x1BF30] =	vst v63  }
0x25: {  	_ =	swait.ge [sflag:s20], $0x28  }
0x26: {  	[sflag:s20] =	ssyncset.done $0x0  }
0x27: {  	[sflag:s20] =	ssyncadd.s32 $0xFFFFFFD8  }
0x28: {  	[tilespmem:s24], [sflag:$0x1] =	stream.indirect.gather [hbm4b:s5+s23], $0x90, s21, s23, $0xb8;
	[tilespmem:$0x1BF30] =	vst v63  }
0x29: {  	_ = 	snop  }
0x2a: {  	[tilespmem:s25], [sflag:$0x1] =	stream.indirect.gather [hbm4b:s6+s23], $0x10, s22, s23, $0xb8;
	[tilespmem:$0x1BF30] =	vst v63  }
0x2b: {  	s15 =	rddreg [dreg:$0x7]  }
0x2c: {  	[tilespmem:s26], [sflag:$0x3] =	stream.linear.gather [hbm4b:s15+s4], $0x28, $0x38;
	[tilespmem:$0x1BF30] =	vst v63  }
0x2d: {  	_ =	swait.ge [sflag:s20], $0x28  }
0x2e: {  	[sflag:s20] =	ssyncset.done $0x0  }
0x2f: {  	s12 =	rddreg [dreg:$0x8];
	[sflag:s20] =	ssyncadd.s32 $0xFFFFFFD8  }
0x30: {  	[tilespmem:s28], [sflag:$0x3] =	stream.linear.gather [hbm4b:s12+s4], $0x28, $0x38;
	[tilespmem:$0x1BF30] =	vst v63  }
0x31: {  	_ =	swait.ge [sflag:s20], $0x28  }
0x32: {  	[sflag:s20] =	ssyncset.done $0x0  }
0x33: {  	[sflag:s20] =	ssyncadd.s32 $0xFFFFFFD8  }
0x34: {  	[tilespmem:s29], [sflag:$0x2] =	stream.indirect.gather [hbm4b:s5+s23], $0x90, s26, s23, $0xb8;
	[tilespmem:$0x1BF30] =	vst v63  }
0x35: {  	_ = 	snop  }
0x36: {  	[tilespmem:s30], [sflag:$0x2] =	stream.indirect.gather [hbm4b:s6+s23], $0x10, s28, s23, $0xb8;
	[tilespmem:$0x1BF30] =	vst v63  }
0x37: {  	_ =	swait.ge [sflag:s31], $0x1680  }
0x38: {  	[sflag:s31] =	ssyncset.done $0x0  }
0x39: {  	[sflag:s31] =	ssyncadd.s32 $0xFFFFE980  }
0x3a: {  	_ =	swait.ge [sflag:s31], $0x280  }
0x3b: {  	[sflag:s31] =	ssyncset.done $0x0  }
0x3c: {  	[sflag:s31] =	ssyncadd.s32 $0xFFFFFD80  }
0x3d: {  	_ =	swait.ge [sflag:s0], $0x1680  }
0x3e: {  	[sflag:s0] =	ssyncset.done $0x0  }
0x3f: {  	[sflag:s0] =	ssyncadd.s32 $0xFFFFE980  }
0x40: {  	_ =	swait.ge [sflag:s0], $0x280  }
0x41: {  	[sflag:s0] =	ssyncset.done $0x0  }
0x42: {  	[sflag:s0] =	ssyncadd.s32 $0xFFFFFD80  }
0x43: {  	[spmem:s2] =	stream.indirect.scatter.add.f32 [tilespmem:s3], [sflag:$0x3], $0x90, s22, s23, $0xb8;
	[tilespmem:$0x1BF30] =	vst v63  }
0x44: {  	_ =	swait.ge [sflag:s20], $0x1680  }
0x45: {  	[sflag:s20] =	ssyncset.done $0x0  }
0x46: {  	[sflag:s20] =	ssyncadd.s32 $0xFFFFE980  }
0x47: {  	[spmem:s2] =	stream.indirect.scatter.add.f32 [tilespmem:s8], [sflag:$0x3], $0x90, s28, s23, $0xb8;
	[tilespmem:$0x1BF30] =	vst v63  }
0x48: {  	_ =	swait.ge [sflag:s20], $0x1680  }
0x49: {  	s13 =	sshrl.u32 s18, $0x3;
	[sflag:s20] =	ssyncset.done $0x0  }
0x4a: {  	s12 =	sadd.s32 s1, s13;
	[sflag:s20] =	ssyncadd.s32 $0xFFFFE980  }
0x4b: {  	[tilespmem:s21], [sflag:$0x3] =	stream.linear.gather [hbm4b:s12+s4], $0x28, $0x38;
	[tilespmem:$0x1BF30] =	vst v63  }
0x4c: {  	_ =	swait.ge [sflag:s20], $0x28  }
0x4d: {  	[sflag:s20] =	ssyncset.done $0x0  }
0x4e: {  	s11 =	sadd.s32 s7, s13;
	[sflag:s20] =	ssyncadd.s32 $0xFFFFFFD8  }
0x4f: {  	[tilespmem:s22], [sflag:$0x3] =	stream.linear.gather [hbm4b:s11+s4], $0x28, $0x38;
	[tilespmem:$0x1BF30] =	vst v63  }
0x50: {  	_ =	swait.ge [sflag:s20], $0x28  }
0x51: {  	[sflag:s20] =	ssyncset.done $0x0  }
0x52: {  	[sflag:s20] =	ssyncadd.s32 $0xFFFFFFD8  }
0x53: {  	[tilespmem:s24], [sflag:$0x1] =	stream.indirect.gather [hbm4b:s5+s23], $0x90, s21, s23, $0xb8;
	[tilespmem:$0x1BF30] =	vst v63  }
0x54: {  	_ = 	snop  }
0x55: {  	[tilespmem:s25], [sflag:$0x1] =	stream.indirect.gather [hbm4b:s6+s23], $0x10, s22, s23, $0xb8;
	[tilespmem:$0x1BF30] =	vst v63  }
0x56: {  	s14 =	sadd.s32 $0x0, s17  }
0x57: {  	[tilespmem:s26], [sflag:$0x3] =	stream.linear.gather [hbm4b:s14+s4], $0x28, $0x38;
	[tilespmem:$0x1BF30] =	vst v63  }
0x58: {  	_ =	swait.ge [sflag:s20], $0x28  }
0x59: {  	[sflag:s20] =	ssyncset.done $0x0  }
0x5a: {  	s15 =	sadd.s32 $0x0, s16;
	[sflag:s20] =	ssyncadd.s32 $0xFFFFFFD8  }
0x5b: {  	[tilespmem:s28], [sflag:$0x3] =	stream.linear.gather [hbm4b:s15+s4], $0x28, $0x38;
	[tilespmem:$0x1BF30] =	vst v63  }
0x5c: {  	_ =	swait.ge [sflag:s20], $0x28  }
0x5d: {  	[sflag:s20] =	ssyncset.done $0x0  }
0x5e: {  	s12 =	sadd.s32 $0x50, s18;
	s11 =	simm.s32 $0xA;
	[sflag:s20] =	ssyncadd.s32 $0xFFFFFFD8  }
0x5f: {  	[tilespmem:s29], [sflag:$0x2] =	stream.indirect.gather [hbm4b:s5+s23], $0x90, s26, s23, $0xb8;
	[tilespmem:$0x1BF30] =	vst v63  }
.LBB2_2:
0x60: {  	[tilespmem:s30], [sflag:$0x2] =	stream.indirect.gather [hbm4b:s6+s23], $0x10, s28, s23, $0xb8;
	[tilespmem:$0x1BF30] =	vst v63  }
0x61: {  	s13 =	smov.u32 s11  }
0x62: {  	p0 =	sne.s32 s11, $0x4D8;
	s11 =	sadd.s32 $0xA, s11;
	_ =	swait.ge [sflag:s31], $0x1680  }
0x63: {  	[sflag:s31] =	ssyncset.done $0x0  }
0x64: {  	[sflag:s31] =	ssyncadd.s32 $0xFFFFE980  }
0x65: {  	_ =	swait.ge [sflag:s31], $0x280  }
0x66: {  	[sflag:s31] =	ssyncset.done $0x0  }
0x67: {  	[sflag:s31] =	ssyncadd.s32 $0xFFFFFD80  }
0x68: {  	_ =	swait.ge [sflag:s0], $0x1680  }
0x69: {  	[sflag:s0] =	ssyncset.done $0x0  }
0x6a: {  	[sflag:s0] =	ssyncadd.s32 $0xFFFFE980  }
0x6b: {  	_ =	swait.ge [sflag:s0], $0x280  }
0x6c: {  	[sflag:s0] =	ssyncset.done $0x0  }
0x6d: {  	[sflag:s0] =	ssyncadd.s32 $0xFFFFFD80  }
0x6e: {  	[spmem:s2] =	stream.indirect.scatter.add.f32 [tilespmem:s3], [sflag:$0x3], $0x90, s22, s23, $0xb8;
	[tilespmem:$0x1BF30] =	vst v63  }
0x6f: {  	_ =	swait.ge [sflag:s20], $0x1680  }
0x70: {  	[sflag:s20] =	ssyncset.done $0x0  }
0x71: {  	[sflag:s20] =	ssyncadd.s32 $0xFFFFE980  }
0x72: {  	[spmem:s2] =	stream.indirect.scatter.add.f32 [tilespmem:s8], [sflag:$0x3], $0x90, s28, s23, $0xb8;
	[tilespmem:$0x1BF30] =	vst v63  }
0x73: {  	_ =	swait.ge [sflag:s20], $0x1680  }
0x74: {  	s14 =	sshrl.u32 s12, $0x3;
	[sflag:s20] =	ssyncset.done $0x0  }
0x75: {  	s15 =	sadd.s32 s1, s14;
	[sflag:s20] =	ssyncadd.s32 $0xFFFFE980  }
0x76: {  	[tilespmem:s21], [sflag:$0x3] =	stream.linear.gather [hbm4b:s15+s4], $0x28, $0x38;
	[tilespmem:$0x1BF30] =	vst v63  }
0x77: {  	_ =	swait.ge [sflag:s20], $0x28  }
0x78: {  	[sflag:s20] =	ssyncset.done $0x0  }
0x79: {  	s14 =	sadd.s32 s7, s14;
	[sflag:s20] =	ssyncadd.s32 $0xFFFFFFD8  }
0x7a: {  	[tilespmem:s22], [sflag:$0x3] =	stream.linear.gather [hbm4b:s14+s4], $0x28, $0x38;
	[tilespmem:$0x1BF30] =	vst v63  }
0x7b: {  	_ =	swait.ge [sflag:s20], $0x28  }
0x7c: {  	[sflag:s20] =	ssyncset.done $0x0  }
0x7d: {  	[sflag:s20] =	ssyncadd.s32 $0xFFFFFFD8  }
0x7e: {  	[tilespmem:s24], [sflag:$0x1] =	stream.indirect.gather [hbm4b:s5+s23], $0x90, s21, s23, $0xb8;
	[tilespmem:$0x1BF30] =	vst v63  }
0x7f: {  	_ = 	snop  }
0x80: {  	[tilespmem:s25], [sflag:$0x1] =	stream.indirect.gather [hbm4b:s6+s23], $0x10, s22, s23, $0xb8;
	[tilespmem:$0x1BF30] =	vst v63  }
0x81: {  	s14 =	sadd.s32 s13, s17  }
0x82: {  	[tilespmem:s26], [sflag:$0x3] =	stream.linear.gather [hbm4b:s14+s4], $0x28, $0x38;
	[tilespmem:$0x1BF30] =	vst v63  }
0x83: {  	_ =	swait.ge [sflag:s20], $0x28  }
0x84: {  	[sflag:s20] =	ssyncset.done $0x0  }
0x85: {  	s13 =	sadd.s32 s13, s16;
	[sflag:s20] =	ssyncadd.s32 $0xFFFFFFD8  }
0x86: {  	[tilespmem:s28], [sflag:$0x3] =	stream.linear.gather [hbm4b:s13+s4], $0x28, $0x38;
	[tilespmem:$0x1BF30] =	vst v63  }
.Ltmp0:
0x87: {  	_ =	swait.ge [sflag:s20], $0x28;
	(pc) =	sbr.rel @p0 .LBB2_2-.Ltmp0, $4  }
0x88: {  	[sflag:s20] =	ssyncset.done $0x0  }
0x89: {  	[sflag:s20] =	ssyncadd.s32 $0xFFFFFFD8  }
0x8a: {  	[tilespmem:s29], [sflag:$0x2] =	stream.indirect.gather [hbm4b:s5+s23], $0x90, s26, s23, $0xb8;
	[tilespmem:$0x1BF30] =	vst v63  }
0x8b: {  	s12 =	sadd.s32 $0x50, s12  }
0x8c: {  	[tilespmem:s30], [sflag:$0x2] =	stream.indirect.gather [hbm4b:s6+s23], $0x10, s28, s23, $0xb8;
	[tilespmem:$0x1BF30] =	vst v63  }
0x8d: {  	_ =	swait.ge [sflag:s31], $0x1680  }
0x8e: {  	[sflag:s31] =	ssyncset.done $0x0  }
0x8f: {  	[sflag:s31] =	ssyncadd.s32 $0xFFFFE980  }
0x90: {  	_ =	swait.ge [sflag:s31], $0x280  }
0x91: {  	[sflag:s31] =	ssyncset.done $0x0  }
0x92: {  	[sflag:s31] =	ssyncadd.s32 $0xFFFFFD80  }
0x93: {  	_ =	swait.ge [sflag:s0], $0x1680  }
0x94: {  	[sflag:s0] =	ssyncset.done $0x0  }
0x95: {  	[sflag:s0] =	ssyncadd.s32 $0xFFFFE980  }
0x96: {  	_ =	swait.ge [sflag:s0], $0x280  }
0x97: {  	[sflag:s0] =	ssyncset.done $0x0  }
0x98: {  	[sflag:s0] =	ssyncadd.s32 $0xFFFFFD80  }
0x99: {  	[bflag:$0x0] =	sbarrier.arrive $0xFFFF  }
0x9a: {  	s11 =	rddreg [dreg:$0x9]  }
0x9b: {  	[hbm:s11], [sflag:s9] =	dma.local [spmem:s19], $0x2BF2  }
0x9c: {  	_ =	swait.ge [sflag:s20], $0x2BF2  }
0x9d: {  	s10 =	sadd.s32 $0x1, s10;
	s15 =	rddreg [dreg:$0xa]  }
0x9e: {  	p0 =	sne.s32 s10, s15  }
.Ltmp1:
0x9f: {  	_ = 	snop;
	(pc) =	sbr.rel @p0 .LBB2_1-.Ltmp1, $3  }
0xa0: {  	_ =	sdelay $0x1  }
0xa1: {  	[sflag:s20] =	ssyncset.done $0x0  }
0xa2: {  	[sflag:s20] =	ssyncadd.s32 $0xFFFFD40E  }
0xa3: {  	_ =	sfence.sel $0x180000  }
0xa4: {  	[bflag:$0x0] =	sbarrier.arrive $0xFFFF  }
0xa5: {  	_ =	strace $0x90000047  }
0xa6: {  	s0 =	stileid.u32;
	[bflag:$0x2] =	sbarrier.arrive $0xFFFF  }
0xa7: {  	p0 =	sne.s32 s0, $0x0;
	s0 =	rddreg [dreg:$0x3]  }
0xa8: {  	s0 =	sadd.s32 @!p0 $0x100000, s0  }
0xa9: {  	[sflag:s0] =	ssyncadd.tile.s32 @!p0 $0x1;
	_ =	shalt  }
.Lfunc_end2:
_tile_overlayer_lowered:
.L_overlay_start_2:
0xaa: {  	(tag) =	ssettag $0x2  }
0xab: {  	s0 =	rddreg [dreg:$0x0];
	s2 =	stileid.u32  }
0xac: {  	s1 =	rddreg [dreg:$0x1];
	p0 =	sne.s32 s2, $0x0  }
0xad: {  	s3 =	rddreg [dreg:$0x2];
	[bflag:$0x3] =	sbarrier.arrive $0xFFFF;
	s2 =	simm.s32 @!p0 $0x1C03  }
0xae: {  	[timem:s3], [sflag:s2] =	dma.local @!p0 [hbm:s0], s1  }
0xaf: {  	s0 =	simm.s32 @!p0 $0x3  }
0xb0: {  	_ =	swait.ge @!p0 [sflag:s0], s1  }
0xb1: {  	s1 =	ssub.s32 @!p0 $0x0, s1;
	[sflag:s0] =	ssyncset.done @!p0 $0x0  }
0xb2: {  	[sflag:s0] =	ssyncadd.s32 @!p0 s1  }
0xb3: {  	[bflag:$0x3] =	sbarrier.arrive $0xFFFF  }
0xb4: {  	_ =	shalt  }

// kernel: kernel.15.cloned.1.call-start
scs
__scs_entry_jumppad:
0x0: {  	(pc) =	sbr.rel $0x88, $3  }
0x1: {  	(tag) =	ssettag $0x0;
	lr =	simm.s32 $0x1  }
0x2: {  	[smem:$0x3F8B] =	sst lr;
	_ =	strace $0xD0000000  }
0x3: {  	_ = 	snop  }
0x4: {  	_ = 	snop  }
0x5: {  	_ = 	snop  }
0x6: {  	_ = 	snop  }
0x7: {  	_ = 	snop  }
__scs_overlays_trampoline_lowered:
0x8: {  	[smem:$0x3F9A] =	sst s0  }
0x9: {  	[smem:$0x3F9B] =	sst s1  }
0xa: {  	[smem:$0x3F9C] =	sst s2  }
0xb: {  	[smem:$0x3F9D] =	sst s3  }
0xc: {  	[smem:$0x3F9E] =	sst s4  }
0xd: {  	[smem:$0x3F9F] =	sst s5  }
0xe: {  	[smem:$0x3FA0] =	sst s6  }
0xf: {  	[smem:$0x3FA1] =	sst s7  }
0x10: {  	[smem:$0x3FA2] =	sst s8  }
0x11: {  	[smem:$0x3FA3] =	sst s9;
	s0 =	simm.s32 @!p0 $0x0  }
0x12: {  	s1 =	sld [smem:$0x3F89];
	s0 =	simm.s32 @p0 $0x1  }
0x13: {  	[smem:$0x3FA4] =	sst s0;
	s0 =	simm.s32 @!p1 $0x0  }
0x14: {  	s2 =	sld [smem:$0x3F88];
	s0 =	simm.s32 @p1 $0x1  }
0x15: {  	[smem:$0x3FA5] =	sst s0;
	s0 =	simm.s32 @!p2 $0x0  }
0x16: {  	s3 =	sld [smem:$0x3FDB];
	s0 =	simm.s32 @p2 $0x1  }
0x17: {  	s4 =	simm.s32 $0x1BF5;
	[smem:$0x3FA7] =	sst s0  }
0x18: {  	s0 =	sld [smem:$0x3F8A];
	_ =	swait.ge [sflag:s4], $0x0  }
0x19: {  	s7 =	sld [smem:$0x3F8B]  }
0x1a: {  	s8 =	sadd.s32 $0xFFFFE003, lr  }
0x1b: {  	s9 =	sadd.s32 $0xFFFFFEF7, lr;
	s5 =	simm.s32 $0xFFFFFFFF;
	p2 =	slt.u32 s8, $0xFFFFF086  }
0x1c: {  	p1 =	slt.u32 s9, $0xF7A;
	s5 =	simm.s32 @!p2 $0x0  }
0x1d: {  	s5 =	simm.s32 @p1 $0x1;
	p0 =	seq.s32 s7, s2  }
0x1e: {  	s7 =	smul.u32 @!p0 $0xF7A, s2;
	p2 =	seq.s32 @!p0 s5, $0x0  }
0x1f: {  	s9 =	smul.u32 $0xF7A, s1;
	s8 =	simm.s32 @!p0 $0x1BF5;
	p2 =	por !p2, p0  }
0x20: {  	[sflag:s8] =	ssyncset.s32 @!p0 $0xFFFFF086;
	s6 =	sadd.s32 @!p0 s3, s7;
	s7 =	simm.s32 @!p0 $0x108  }
0x21: {  	s3 =	sadd.s32 s3, s9;
	s6 =	sadd.s32 @!p0 $0x88, s6;
	s7 =	simm.s32 @p2 $0x1082  }
0x22: {  	[simem:s7], [sflag:s8] =	dma.local @!p0 [hbm:s6], $0xF7A  }
0x23: {  	s9 =	sor.u32 $0xD0000000, s2;
	s6 =	simm.s32 $0x108;
	_ =	swait.ge @!p0 [sflag:s8], $0x0  }
0x24: {  	s3 =	sadd.s32 $0x88, s3;
	s6 =	simm.s32 @!p1 $0x1082;
	[sflag:s4] =	ssyncset.s32 $0xFFFFF086  }
0x25: {  	[simem:s6], [sflag:s4] =	dma.local [hbm:s3], $0xF7A  }
0x26: {  	[smem:$0x3F8B] =	sst s1;
	(tag) =	ssettag s2;
	_ =	strace s9  }
0x27: {  	s1 =	sld [smem:$0x3F9B]  }
0x28: {  	s2 =	sld [smem:$0x3F9C]  }
0x29: {  	s4 =	sld [smem:$0x3F9E]  }
0x2a: {  	p0 =	seq.s32 s5, $0x0;
	s5 =	sld [smem:$0x3F9F]  }
0x2b: {  	s6 =	sld [smem:$0x3FA0]  }
0x2c: {  	s7 =	sld [smem:$0x3FA1]  }
0x2d: {  	s3 =	simm.s32 $0x108;
	s8 =	sld [smem:$0x3FA2]  }
0x2e: {  	s3 =	simm.s32 @!p0 $0x1082;
	s9 =	sld [smem:$0x3FA3]  }
0x2f: {  	lr =	sadd.s32 s0, s3;
	s0 =	sld [smem:$0x3F9A]  }
0x30: {  	s3 =	sld [smem:$0x3F9D]  }
0x31: {  	[smem:$0x3FA6] =	sst s10  }
0x32: {  	s10 =	sld [smem:$0x3FA4];
	_ =	sdelay $0x3  }
0x33: {  	p0 =	seq.s32 s10, $0x1;
	s10 =	sld [smem:$0x3FA6];
	_ =	sdelay $0x3  }
0x34: {  	[smem:$0x3FA6] =	sst s10  }
0x35: {  	s10 =	sld [smem:$0x3FA5];
	_ =	sdelay $0x3  }
0x36: {  	p1 =	seq.s32 s10, $0x1;
	s10 =	sld [smem:$0x3FA6];
	_ =	sdelay $0x3  }
0x37: {  	[smem:$0x3FA6] =	sst s10  }
0x38: {  	s10 =	sld [smem:$0x3FA7]  }
0x39: {  	_ = 	snop;
	(pc) =	sbr.ind lr, $3  }
0x3a: {  	_ = 	snop  }
0x3b: {  	_ = 	snop  }
0x3c: {  	p2 =	seq.s32 s10, $0x1;
	s10 =	sld [smem:$0x3FA6]  }
0x3d: {  	_ =	shalt  }
0x3e: {  	_ =	shalt  }
0x3f: {  	_ =	shalt  }
0x40: {  	_ =	shalt  }
0x41: {  	_ =	shalt  }
0x42: {  	_ =	shalt  }
0x43: {  	_ =	shalt  }
0x44: {  	_ =	shalt  }
0x45: {  	_ =	shalt  }
0x46: {  	_ =	shalt  }
0x47: {  	_ =	shalt  }
0x48: {  	_ =	shalt  }
0x49: {  	_ =	shalt  }
0x4a: {  	_ =	shalt  }
0x4b: {  	_ =	shalt  }
0x4c: {  	_ =	shalt  }
0x4d: {  	_ =	shalt  }
0x4e: {  	_ =	shalt  }
0x4f: {  	_ =	shalt  }
0x50: {  	_ =	shalt  }
0x51: {  	_ =	shalt  }
0x52: {  	_ =	shalt  }
0x53: {  	_ =	shalt  }
0x54: {  	_ =	shalt  }
0x55: {  	_ =	shalt  }
0x56: {  	_ =	shalt  }
0x57: {  	_ =	shalt  }
0x58: {  	_ =	shalt  }
0x59: {  	_ =	shalt  }
0x5a: {  	_ =	shalt  }
0x5b: {  	_ =	shalt  }
0x5c: {  	_ =	shalt  }
0x5d: {  	_ =	shalt  }
0x5e: {  	_ =	shalt  }
0x5f: {  	_ =	shalt  }
0x60: {  	_ =	shalt  }
0x61: {  	_ =	shalt  }
0x62: {  	_ =	shalt  }
0x63: {  	_ =	shalt  }
0x64: {  	_ =	shalt  }
0x65: {  	_ =	shalt  }
0x66: {  	_ =	shalt  }
0x67: {  	_ =	shalt  }
0x68: {  	_ =	shalt  }
0x69: {  	_ =	shalt  }
0x6a: {  	_ =	shalt  }
0x6b: {  	_ =	shalt  }
0x6c: {  	_ =	shalt  }
0x6d: {  	_ =	shalt  }
0x6e: {  	_ =	shalt  }
0x6f: {  	_ =	shalt  }
0x70: {  	_ =	shalt  }
0x71: {  	_ =	shalt  }
0x72: {  	_ =	shalt  }
0x73: {  	_ =	shalt  }
0x74: {  	_ =	shalt  }
0x75: {  	_ =	shalt  }
0x76: {  	_ =	shalt  }
0x77: {  	_ =	shalt  }
0x78: {  	_ =	shalt  }
0x79: {  	_ =	shalt  }
0x7a: {  	_ =	shalt  }
0x7b: {  	_ =	shalt  }
0x7c: {  	_ =	shalt  }
0x7d: {  	_ =	shalt  }
0x7e: {  	_ =	shalt  }
0x7f: {  	_ =	shalt  }
0x80: {  	_ =	shalt  }
0x81: {  	_ =	shalt  }
0x82: {  	_ =	shalt  }
0x83: {  	_ =	shalt  }
0x84: {  	_ =	shalt  }
0x85: {  	_ =	shalt  }
0x86: {  	_ =	shalt  }
0x87: {  	_ =	shalt  }
.Lfunc_end0:
.L_simem_size_0:
called_computation.1_lowered:
.L_overlay_start_0:
0x88: {  	s2 =	sld [smem:$0x3FD9]  }
0x89: {  	s3 =	sld [smem:$0x3FFE];
	_ =	sdelay $0x1  }
0x8a: {  	s1 =	srdreg.scid  }
0x8b: {  	s0 =	sand.u32 $0x1, s1  }
0x8c: {  	s17 =	sshll.u32 s0, $0xA;
	s2 =	sadd.s32 s3, s2  }
0x8d: {  	s2 =	sadd.s32 s2, s17  }
0x8e: {  	[smem:$0x3FB2] =	sst s2  }
0x8f: {  	_ = 	snop  }
0x90: {  	s2 =	sld [smem:$0x3FD0];
	(tm) =	ssettm $0x1  }
0x91: {  	s18 =	sld [smem:$0x3FFB];
	_ =	sdelay $0x3  }
0x92: {  	_ =	strace s18  }
0x93: {  	s3 =	sld [smem:$0x3FFC];
	_ =	sdelay $0x3  }
0x94: {  	_ =	strace s3  }
0x95: {  	s3 =	sld [smem:$0x3FFD];
	_ =	sdelay $0x3  }
0x96: {  	_ =	strace s3  }
0x97: {  	_ =	strace $0x8FFFFFFF  }
0x98: {  	s19 =	sld [smem:$0x3FDB];
	_ =	sdelay $0x1  }
0x99: {  	s4 =	simm.s32 $_scs_section_size  }
0x9a: {  	s5 =	simm.s32 $_size__tile_overlayer_lowered;
	s6 =	simm.s32 $_tile_overlayer_lowered  }
0x9b: {  	s22 =	simm.s32 $0x1BFF;
	s21 =	sshll.u32 s6, $0x1;
	s3 =	sadd.s32 s4, s19  }
0x9c: {  	s7 =	simm.s32 $0x0;
	s20 =	sshll.u32 s5, $0x1;
	s5 =	sadd.s32 s21, s3  }
0x9d: {  	[timem:s7], [sflag:s22] =	dma.local [hbm:s5], s20  }
0x9e: {  	_ =	swait.ge [sflag:s22], s20  }
0x9f: {  	s4 =	ssub.s32 $0x0, s20;
	[sflag:s22] =	ssyncset.done $0x0  }
0xa0: {  	[sflag:s22] =	ssyncadd.s32 s4;
	_ =	sdelay $0x1  }
0xa1: {  	s23 =	simm.s32 $0x1B8B  }
0xa2: {  	_ =	swait.ge [sflag:s23], $0x1  }
0xa3: {  	[sflag:s23] =	ssyncset.done $0x0  }
0xa4: {  	s25 =	simm.s32 $0x1B8E;
	s24 =	sld [smem:$0x3FFE];
	[sflag:s23] =	ssyncadd.s32 $0xFFFFFFFF  }
0xa5: {  	s26 =	simm.s32 $execute0_lowered;
	[smem:$0x3FD2] =	sst s25  }
0xa6: {  	s5 =	sshll.u32 s26, $0x1;
	_ =	strace $0x80000049;
	[dreg:$0x1] =	wrdreg $0xFFFFFFFF  }
0xa7: {  	s28 =	simm.s32 $_size_execute0_lowered;
	s3 =	sadd.s32 s3, s5;
	[dreg:$0x0] =	wrdreg $0x0  }
0xa8: {  	s5 =	sshll.u32 s28, $0x1;
	[dreg:$0x2] =	wrdreg s3  }
0xa9: {  	[dreg:$0x3] =	wrdreg s5  }
0xaa: {  	[dreg:$0x4] =	wrdreg $0xC0  }
0xab: {  	_ =	task [dreg:s7], $0x5FFFF  }
0xac: {  	[dreg:$0x1] =	wrdreg $0xFFFFFFFF  }
0xad: {  	[dreg:$0x0] =	wrdreg $0x60  }
0xae: {  	[dreg:$0x2] =	wrdreg s24  }
0xaf: {  	[dreg:$0x3] =	wrdreg s2  }
0xb0: {  	[dreg:$0x4] =	wrdreg $0x0  }
0xb1: {  	[dreg:$0x5] =	wrdreg $0x9  }
0xb2: {  	_ =	task.clear_ibuf [dreg:s7], $0x6FFFF;
	_ =	strace $0x90000049  }
0xb3: {  	s29 =	simm.s32 $0x9;
	_ =	strace $0x8000004B  }
0xb4: {  	_ =	swait.ge [sflag:s29], $0x1  }
0xb5: {  	[sflag:s29] =	ssyncadd.s32 $0xFFFFFFFF  }
0xb6: {  	_ =	strace $0x9000004B  }
0xb7: {  	_ =	sfence  }
0xb8: {  	s30 =	sld [smem:$0x0];
	_ =	sdelay $0x2  }
0xb9: {  	s31 =	sshll.u32 s1, $0xD;
	s1 =	sshrl.u32 s1, $0x2  }
0xba: {  	s3 =	sand.u32 $0x4000, s31;
	s1 =	sadd.s32 s1, s30  }
0xbb: {  	s0 =	sor.u32 s3, s0;
	s1 =	sshll.u32 s1, $0x11  }
0xbc: {  	s0 =	sor.u32 s1, s0  }
0xbd: {  	s0 =	sadd.s32 $0x8F2B, s0  }
0xbe: {  	[sflag:s0] =	ssyncadd.remote.s32 $0x1  }
0xbf: {  	_ =	sfence.sel $0xFFFF  }
0xc0: {  	[dreg:$0x0] =	wrdreg $0xFFFFFFFF;
	(pc) =	sbr.abs _section_cstart, $3  }
0xc1: {  	[dreg:$0x1] =	wrdreg $0xFFFFFFFF  }
0xc2: {  	_ =	task.clear_ibuf [dreg:s7], $0x2FFFF;
	_ =	strace $0x9FFFFFFF  }
0xc3: {  	(tm) =	ssettm $0x7FFFFFFF  }
tec
execute0_lowered:
.L_overlay_start_1:
0x0: {  	(tag) =	ssettag $0x1  }
0x1: {  	s0 =	rddreg [dreg:$0x0]  }
0x2: {  	s1 =	rddreg [dreg:$0x1]  }
0x3: {  	s2 =	rddreg [dreg:$0x2];
	s4 =	simm.s32 $0x0  }
0x4: {  	s3 =	srdreg.scid;
	s13 =	stileid.u32;
	s28 =	simm.s32 $0x18F88  }
0x5: {  	s29 =	simm.s32 $0x18FB0;
	s30 =	simm.s32 $0x1A630;
	s31 =	simm.s32 $0x1  }
0x6: {  	[smem:$0x7FF] =	sst s4;
	s3 =	sand.u32 $0x1, s3;
	s8 =	smul.u32 $0x15F90, s13  }
0x7: {  	s5 =	sadd.s32 $0x9F400, s0;
	s6 =	sadd.s32 $0xCB400, s0;
	s7 =	sadd.s32 $0xD0400, s0  }
0x8: {  	s18 =	sshll.u32 s13, $0x6;
	s19 =	smul.u32 $0x2710, s13;
	_ =	strace $0x8000004A  }
0x9: {  	s9 =	smul.u32 $0x15F900, s3;
	s10 =	sshll.u32 s3, $0x4;
	s11 =	ssub.s32 $0x2, s3  }
0xa: {  	s3 =	smul.u32 $0x27100, s3;
	s10 =	sor.u32 s13, s10;
	s12 =	sshrl.u32 s11, $0x1  }
0xb: {  	s9 =	sadd.s32 s8, s9;
	s10 =	smul.u32 $0x2710, s10;
	s11 =	ssub.s32 s11, s12  }
0xc: {  	s8 =	sadd.s32 s8, s2;
	s3 =	sadd.s32 s19, s3;
	s9 =	sshrl.u32 s9, $0x3  }
0xd: {  	s23 =	sadd.s32 $0x78, s3;
	s26 =	smax.u32 s11, $0x1;
	s19 =	sshrl.u32 s8, $0x3  }
0xe: {  	s8 =	simm.s32 $0x1A8B0;
	s0 =	sadd.s32 s9, s0;
	s9 =	sor.u32 $0x1C03, s18  }
0xf: {  	s21 =	sshrl.u32 s10, $0x3;
	s10 =	sadd.s32 $0x28, s10;
	s25 =	sshrl.u32 s23, $0x3  }
0x10: {  	[dreg:$0xa] =	wrdreg s26;
	s18 =	sadd.s32 $0x50, s3;
	s23 =	simm.s32 $0x28  }
0x11: {  	s26 =	simm.s32 $0x18F60;
	s3 =	simm.s32 $0x178E0;
	s20 =	sadd.s32 $0xDA200, s0  }
0x12: {  	s14 =	sadd.s32 s1, s21;
	s22 =	sadd.s32 s7, s21;
	s10 =	sshrl.u32 s10, $0x3  }
0x13: {  	s0 =	sadd.s32 $0x3000, s0;
	s16 =	sadd.s32 s25, s7;
	[dreg:$0x4] =	wrdreg s20  }
0x14: {  	s17 =	sadd.s32 s25, s1;
	s21 =	simm.s32 $0x15F90;
	[dreg:$0x5] =	wrdreg s14  }
0x15: {  	s25 =	simm.s32 $0x17660;
	[dreg:$0x6] =	wrdreg s22;
	s24 =	sadd.s32 s1, s10  }
0x16: {  	s10 =	sadd.s32 s7, s10;
	[dreg:$0x9] =	wrdreg s0;
	s20 =	simm.s32 $0x3  }
0x17: {  	s22 =	simm.s32 $0x15FB8;
	s0 =	simm.s32 $0x2;
	[dreg:$0x7] =	wrdreg s24  }
0x18: {  	[dreg:$0x8] =	wrdreg s10;
	s24 =	simm.s32 $0x15FE0;
	s10 =	simm.s32 $0x0  }
.LBB2_1:
0x19: {  	s11 =	rddreg [dreg:$0x4]  }
0x1a: {  	[spmem:s19], [sflag:s9] =	dma.local [hbm:s11], $0x2BF2  }
0x1b: {  	_ =	swait.ge [sflag:s20], $0x2BF2  }
0x1c: {  	[sflag:s20] =	ssyncset.done $0x0  }
0x1d: {  	[sflag:s20] =	ssyncadd.s32 $0xFFFFD40E  }
0x1e: {  	[bflag:$0x0] =	sbarrier.arrive $0xFFFF  }
0x1f: {  	s13 =	rddreg [dreg:$0x5]  }
0x20: {  	[tilespmem:s21], [sflag:$0x3] =	stream.linear.gather [hbm4b:s13+s4], $0x28, $0x38;
	[tilespmem:$0x1BF30] =	vst v63  }
0x21: {  	_ =	swait.ge [sflag:s20], $0x28  }
0x22: {  	[sflag:s20] =	ssyncset.done $0x0  }
0x23: {  	s14 =	rddreg [dreg:$0x6];
	[sflag:s20] =	ssyncadd.s32 $0xFFFFFFD8  }
0x24: {  	[tilespmem:s22], [sflag:$0x3] =	stream.linear.gather [hbm4b:s14+s4], $0x28, $0x38;
	[tilespmem:$0x1BF30] =	vst v63  }
0x25: {  	_ =	swait.ge [sflag:s20], $0x28  }
0x26: {  	[sflag:s20] =	ssyncset.done $0x0  }
0x27: {  	[sflag:s20] =	ssyncadd.s32 $0xFFFFFFD8  }
0x28: {  	[tilespmem:s24], [sflag:$0x1] =	stream.indirect.gather [hbm4b:s5+s23], $0x90, s21, s23, $0xb8;
	[tilespmem:$0x1BF30] =	vst v63  }
0x29: {  	_ = 	snop  }
0x2a: {  	[tilespmem:s25], [sflag:$0x1] =	stream.indirect.gather [hbm4b:s6+s23], $0x10, s22, s23, $0xb8;
	[tilespmem:$0x1BF30] =	vst v63  }
0x2b: {  	s15 =	rddreg [dreg:$0x7]  }
0x2c: {  	[tilespmem:s26], [sflag:$0x3] =	stream.linear.gather [hbm4b:s15+s4], $0x28, $0x38;
	[tilespmem:$0x1BF30] =	vst v63  }
0x2d: {  	_ =	swait.ge [sflag:s20], $0x28  }
0x2e: {  	[sflag:s20] =	ssyncset.done $0x0  }
0x2f: {  	s12 =	rddreg [dreg:$0x8];
	[sflag:s20] =	ssyncadd.s32 $0xFFFFFFD8  }
0x30: {  	[tilespmem:s28], [sflag:$0x3] =	stream.linear.gather [hbm4b:s12+s4], $0x28, $0x38;
	[tilespmem:$0x1BF30] =	vst v63  }
0x31: {  	_ =	swait.ge [sflag:s20], $0x28  }
0x32: {  	[sflag:s20] =	ssyncset.done $0x0  }
0x33: {  	[sflag:s20] =	ssyncadd.s32 $0xFFFFFFD8  }
0x34: {  	[tilespmem:s29], [sflag:$0x2] =	stream.indirect.gather [hbm4b:s5+s23], $0x90, s26, s23, $0xb8;
	[tilespmem:$0x1BF30] =	vst v63  }
0x35: {  	_ = 	snop  }
0x36: {  	[tilespmem:s30], [sflag:$0x2] =	stream.indirect.gather [hbm4b:s6+s23], $0x10, s28, s23, $0xb8;
	[tilespmem:$0x1BF30] =	vst v63  }
0x37: {  	_ =	swait.ge [sflag:s31], $0x1680  }
0x38: {  	[sflag:s31] =	ssyncset.done $0x0  }
0x39: {  	[sflag:s31] =	ssyncadd.s32 $0xFFFFE980  }
0x3a: {  	_ =	swait.ge [sflag:s31], $0x280  }
0x3b: {  	[sflag:s31] =	ssyncset.done $0x0  }
0x3c: {  	[sflag:s31] =	ssyncadd.s32 $0xFFFFFD80  }
0x3d: {  	_ =	swait.ge [sflag:s0], $0x1680  }
0x3e: {  	[sflag:s0] =	ssyncset.done $0x0  }
0x3f: {  	[sflag:s0] =	ssyncadd.s32 $0xFFFFE980  }
0x40: {  	_ =	swait.ge [sflag:s0], $0x280  }
0x41: {  	[sflag:s0] =	ssyncset.done $0x0  }
0x42: {  	[sflag:s0] =	ssyncadd.s32 $0xFFFFFD80  }
0x43: {  	[spmem:s2] =	stream.indirect.scatter.add.f32 [tilespmem:s3], [sflag:$0x3], $0x90, s22, s23, $0xb8;
	[tilespmem:$0x1BF30] =	vst v63  }
0x44: {  	_ =	swait.ge [sflag:s20], $0x1680  }
0x45: {  	[sflag:s20] =	ssyncset.done $0x0  }
0x46: {  	[sflag:s20] =	ssyncadd.s32 $0xFFFFE980  }
0x47: {  	[spmem:s2] =	stream.indirect.scatter.add.f32 [tilespmem:s8], [sflag:$0x3], $0x90, s28, s23, $0xb8;
	[tilespmem:$0x1BF30] =	vst v63  }
0x48: {  	_ =	swait.ge [sflag:s20], $0x1680  }
0x49: {  	s13 =	sshrl.u32 s18, $0x3;
	[sflag:s20] =	ssyncset.done $0x0  }
0x4a: {  	s12 =	sadd.s32 s1, s13;
	[sflag:s20] =	ssyncadd.s32 $0xFFFFE980  }
0x4b: {  	[tilespmem:s21], [sflag:$0x3] =	stream.linear.gather [hbm4b:s12+s4], $0x28, $0x38;
	[tilespmem:$0x1BF30] =	vst v63  }
0x4c: {  	_ =	swait.ge [sflag:s20], $0x28  }
0x4d: {  	[sflag:s20] =	ssyncset.done $0x0  }
0x4e: {  	s11 =	sadd.s32 s7, s13;
	[sflag:s20] =	ssyncadd.s32 $0xFFFFFFD8  }
0x4f: {  	[tilespmem:s22], [sflag:$0x3] =	stream.linear.gather [hbm4b:s11+s4], $0x28, $0x38;
	[tilespmem:$0x1BF30] =	vst v63  }
0x50: {  	_ =	swait.ge [sflag:s20], $0x28  }
0x51: {  	[sflag:s20] =	ssyncset.done $0x0  }
0x52: {  	[sflag:s20] =	ssyncadd.s32 $0xFFFFFFD8  }
0x53: {  	[tilespmem:s24], [sflag:$0x1] =	stream.indirect.gather [hbm4b:s5+s23], $0x90, s21, s23, $0xb8;
	[tilespmem:$0x1BF30] =	vst v63  }
0x54: {  	_ = 	snop  }
0x55: {  	[tilespmem:s25], [sflag:$0x1] =	stream.indirect.gather [hbm4b:s6+s23], $0x10, s22, s23, $0xb8;
	[tilespmem:$0x1BF30] =	vst v63  }
0x56: {  	s14 =	sadd.s32 $0x0, s17  }
0x57: {  	[tilespmem:s26], [sflag:$0x3] =	stream.linear.gather [hbm4b:s14+s4], $0x28, $0x38;
	[tilespmem:$0x1BF30] =	vst v63  }
0x58: {  	_ =	swait.ge [sflag:s20], $0x28  }
0x59: {  	[sflag:s20] =	ssyncset.done $0x0  }
0x5a: {  	s15 =	sadd.s32 $0x0, s16;
	[sflag:s20] =	ssyncadd.s32 $0xFFFFFFD8  }
0x5b: {  	[tilespmem:s28], [sflag:$0x3] =	stream.linear.gather [hbm4b:s15+s4], $0x28, $0x38;
	[tilespmem:$0x1BF30] =	vst v63  }
0x5c: {  	_ =	swait.ge [sflag:s20], $0x28  }
0x5d: {  	[sflag:s20] =	ssyncset.done $0x0  }
0x5e: {  	s12 =	sadd.s32 $0x50, s18;
	s11 =	simm.s32 $0xA;
	[sflag:s20] =	ssyncadd.s32 $0xFFFFFFD8  }
0x5f: {  	[tilespmem:s29], [sflag:$0x2] =	stream.indirect.gather [hbm4b:s5+s23], $0x90, s26, s23, $0xb8;
	[tilespmem:$0x1BF30] =	vst v63  }
.LBB2_2:
0x60: {  	[tilespmem:s30], [sflag:$0x2] =	stream.indirect.gather [hbm4b:s6+s23], $0x10, s28, s23, $0xb8;
	[tilespmem:$0x1BF30] =	vst v63  }
0x61: {  	s13 =	smov.u32 s11  }
0x62: {  	p0 =	sne.s32 s11, $0x4D8;
	s11 =	sadd.s32 $0xA, s11;
	_ =	swait.ge [sflag:s31], $0x1680  }
0x63: {  	[sflag:s31] =	ssyncset.done $0x0  }
0x64: {  	[sflag:s31] =	ssyncadd.s32 $0xFFFFE980  }
0x65: {  	_ =	swait.ge [sflag:s31], $0x280  }
0x66: {  	[sflag:s31] =	ssyncset.done $0x0  }
0x67: {  	[sflag:s31] =	ssyncadd.s32 $0xFFFFFD80  }
0x68: {  	_ =	swait.ge [sflag:s0], $0x1680  }
0x69: {  	[sflag:s0] =	ssyncset.done $0x0  }
0x6a: {  	[sflag:s0] =	ssyncadd.s32 $0xFFFFE980  }
0x6b: {  	_ =	swait.ge [sflag:s0], $0x280  }
0x6c: {  	[sflag:s0] =	ssyncset.done $0x0  }
0x6d: {  	[sflag:s0] =	ssyncadd.s32 $0xFFFFFD80  }
0x6e: {  	[spmem:s2] =	stream.indirect.scatter.add.f32 [tilespmem:s3], [sflag:$0x3], $0x90, s22, s23, $0xb8;
	[tilespmem:$0x1BF30] =	vst v63  }
0x6f: {  	_ =	swait.ge [sflag:s20], $0x1680  }
0x70: {  	[sflag:s20] =	ssyncset.done $0x0  }
0x71: {  	[sflag:s20] =	ssyncadd.s32 $0xFFFFE980  }
0x72: {  	[spmem:s2] =	stream.indirect.scatter.add.f32 [tilespmem:s8], [sflag:$0x3], $0x90, s28, s23, $0xb8;
	[tilespmem:$0x1BF30] =	vst v63  }
0x73: {  	_ =	swait.ge [sflag:s20], $0x1680  }
0x74: {  	s14 =	sshrl.u32 s12, $0x3;
	[sflag:s20] =	ssyncset.done $0x0  }
0x75: {  	s15 =	sadd.s32 s1, s14;
	[sflag:s20] =	ssyncadd.s32 $0xFFFFE980  }
0x76: {  	[tilespmem:s21], [sflag:$0x3] =	stream.linear.gather [hbm4b:s15+s4], $0x28, $0x38;
	[tilespmem:$0x1BF30] =	vst v63  }
0x77: {  	_ =	swait.ge [sflag:s20], $0x28  }
0x78: {  	[sflag:s20] =	ssyncset.done $0x0  }
0x79: {  	s14 =	sadd.s32 s7, s14;
	[sflag:s20] =	ssyncadd.s32 $0xFFFFFFD8  }
0x7a: {  	[tilespmem:s22], [sflag:$0x3] =	stream.linear.gather [hbm4b:s14+s4], $0x28, $0x38;
	[tilespmem:$0x1BF30] =	vst v63  }
0x7b: {  	_ =	swait.ge [sflag:s20], $0x28  }
0x7c: {  	[sflag:s20] =	ssyncset.done $0x0  }
0x7d: {  	[sflag:s20] =	ssyncadd.s32 $0xFFFFFFD8  }
0x7e: {  	[tilespmem:s24], [sflag:$0x1] =	stream.indirect.gather [hbm4b:s5+s23], $0x90, s21, s23, $0xb8;
	[tilespmem:$0x1BF30] =	vst v63  }
0x7f: {  	_ = 	snop  }
0x80: {  	[tilespmem:s25], [sflag:$0x1] =	stream.indirect.gather [hbm4b:s6+s23], $0x10, s22, s23, $0xb8;
	[tilespmem:$0x1BF30] =	vst v63  }
0x81: {  	s14 =	sadd.s32 s13, s17  }
0x82: {  	[tilespmem:s26], [sflag:$0x3] =	stream.linear.gather [hbm4b:s14+s4], $0x28, $0x38;
	[tilespmem:$0x1BF30] =	vst v63  }
0x83: {  	_ =	swait.ge [sflag:s20], $0x28  }
0x84: {  	[sflag:s20] =	ssyncset.done $0x0  }
0x85: {  	s13 =	sadd.s32 s13, s16;
	[sflag:s20] =	ssyncadd.s32 $0xFFFFFFD8  }
0x86: {  	[tilespmem:s28], [sflag:$0x3] =	stream.linear.gather [hbm4b:s13+s4], $0x28, $0x38;
	[tilespmem:$0x1BF30] =	vst v63  }
.Ltmp0:
0x87: {  	_ =	swait.ge [sflag:s20], $0x28;
	(pc) =	sbr.rel @p0 .LBB2_2-.Ltmp0, $4  }
0x88: {  	[sflag:s20] =	ssyncset.done $0x0  }
0x89: {  	[sflag:s20] =	ssyncadd.s32 $0xFFFFFFD8  }
0x8a: {  	[tilespmem:s29], [sflag:$0x2] =	stream.indirect.gather [hbm4b:s5+s23], $0x90, s26, s23, $0xb8;
	[tilespmem:$0x1BF30] =	vst v63  }
0x8b: {  	s12 =	sadd.s32 $0x50, s12  }
0x8c: {  	[tilespmem:s30], [sflag:$0x2] =	stream.indirect.gather [hbm4b:s6+s23], $0x10, s28, s23, $0xb8;
	[tilespmem:$0x1BF30] =	vst v63  }
0x8d: {  	_ =	swait.ge [sflag:s31], $0x1680  }
0x8e: {  	[sflag:s31] =	ssyncset.done $0x0  }
0x8f: {  	[sflag:s31] =	ssyncadd.s32 $0xFFFFE980  }
0x90: {  	_ =	swait.ge [sflag:s31], $0x280  }
0x91: {  	[sflag:s31] =	ssyncset.done $0x0  }
0x92: {  	[sflag:s31] =	ssyncadd.s32 $0xFFFFFD80  }
0x93: {  	_ =	swait.ge [sflag:s0], $0x1680  }
0x94: {  	[sflag:s0] =	ssyncset.done $0x0  }
0x95: {  	[sflag:s0] =	ssyncadd.s32 $0xFFFFE980  }
0x96: {  	_ =	swait.ge [sflag:s0], $0x280  }
0x97: {  	[sflag:s0] =	ssyncset.done $0x0  }
0x98: {  	[sflag:s0] =	ssyncadd.s32 $0xFFFFFD80  }
0x99: {  	[bflag:$0x0] =	sbarrier.arrive $0xFFFF  }
0x9a: {  	s11 =	rddreg [dreg:$0x9]  }
0x9b: {  	[hbm:s11], [sflag:s9] =	dma.local [spmem:s19], $0x2BF2  }
0x9c: {  	_ =	swait.ge [sflag:s20], $0x2BF2  }
0x9d: {  	s10 =	sadd.s32 $0x1, s10;
	s15 =	rddreg [dreg:$0xa]  }
0x9e: {  	p0 =	sne.s32 s10, s15  }
.Ltmp1:
0x9f: {  	_ = 	snop;
	(pc) =	sbr.rel @p0 .LBB2_1-.Ltmp1, $3  }
0xa0: {  	_ =	sdelay $0x1  }
0xa1: {  	[sflag:s20] =	ssyncset.done $0x0  }
0xa2: {  	[sflag:s20] =	ssyncadd.s32 $0xFFFFD40E  }
0xa3: {  	_ =	sfence.sel $0x180000  }
0xa4: {  	[bflag:$0x0] =	sbarrier.arrive $0xFFFF  }
0xa5: {  	_ =	strace $0x9000004A  }
0xa6: {  	s0 =	stileid.u32;
	[bflag:$0x2] =	sbarrier.arrive $0xFFFF  }
0xa7: {  	p0 =	sne.s32 s0, $0x0;
	s0 =	rddreg [dreg:$0x3]  }
0xa8: {  	s0 =	sadd.s32 @!p0 $0x100000, s0  }
0xa9: {  	[sflag:s0] =	ssyncadd.tile.s32 @!p0 $0x1;
	_ =	shalt  }
.Lfunc_end2:
_tile_overlayer_lowered:
.L_overlay_start_2:
0xaa: {  	(tag) =	ssettag $0x2  }
0xab: {  	s0 =	rddreg [dreg:$0x0];
	s2 =	stileid.u32  }
0xac: {  	s1 =	rddreg [dreg:$0x1];
	p0 =	sne.s32 s2, $0x0  }
0xad: {  	s3 =	rddreg [dreg:$0x2];
	[bflag:$0x3] =	sbarrier.arrive $0xFFFF;
	s2 =	simm.s32 @!p0 $0x1C03  }
0xae: {  	[timem:s3], [sflag:s2] =	dma.local @!p0 [hbm:s0], s1  }
0xaf: {  	s0 =	simm.s32 @!p0 $0x3  }
0xb0: {  	_ =	swait.ge @!p0 [sflag:s0], s1  }
0xb1: {  	s1 =	ssub.s32 @!p0 $0x0, s1;
	[sflag:s0] =	ssyncset.done @!p0 $0x0  }
0xb2: {  	[sflag:s0] =	ssyncadd.s32 @!p0 s1  }
0xb3: {  	[bflag:$0x3] =	sbarrier.arrive $0xFFFF  }
0xb4: {  	_ =	shalt  }

// kernel: kernel.18.cloned.1.call-start
scs
__scs_entry_jumppad:
0x0: {  	(pc) =	sbr.rel $0x88, $3  }
0x1: {  	(tag) =	ssettag $0x0;
	lr =	simm.s32 $0x1  }
0x2: {  	[smem:$0x3F8B] =	sst lr;
	_ =	strace $0xD0000000  }
0x3: {  	_ = 	snop  }
0x4: {  	_ = 	snop  }
0x5: {  	_ = 	snop  }
0x6: {  	_ = 	snop  }
0x7: {  	_ = 	snop  }
__scs_overlays_trampoline_lowered:
0x8: {  	[smem:$0x3F9A] =	sst s0  }
0x9: {  	[smem:$0x3F9B] =	sst s1  }
0xa: {  	[smem:$0x3F9C] =	sst s2  }
0xb: {  	[smem:$0x3F9D] =	sst s3  }
0xc: {  	[smem:$0x3F9E] =	sst s4  }
0xd: {  	[smem:$0x3F9F] =	sst s5  }
0xe: {  	[smem:$0x3FA0] =	sst s6  }
0xf: {  	[smem:$0x3FA1] =	sst s7  }
0x10: {  	[smem:$0x3FA2] =	sst s8  }
0x11: {  	[smem:$0x3FA3] =	sst s9;
	s0 =	simm.s32 @!p0 $0x0  }
0x12: {  	s1 =	sld [smem:$0x3F89];
	s0 =	simm.s32 @p0 $0x1  }
0x13: {  	[smem:$0x3FA4] =	sst s0;
	s0 =	simm.s32 @!p1 $0x0  }
0x14: {  	s2 =	sld [smem:$0x3F88];
	s0 =	simm.s32 @p1 $0x1  }
0x15: {  	[smem:$0x3FA5] =	sst s0;
	s0 =	simm.s32 @!p2 $0x0  }
0x16: {  	s3 =	sld [smem:$0x3FDB];
	s0 =	simm.s32 @p2 $0x1  }
0x17: {  	s4 =	simm.s32 $0x1BF5;
	[smem:$0x3FA7] =	sst s0  }
0x18: {  	s0 =	sld [smem:$0x3F8A];
	_ =	swait.ge [sflag:s4], $0x0  }
0x19: {  	s7 =	sld [smem:$0x3F8B]  }
0x1a: {  	s8 =	sadd.s32 $0xFFFFE003, lr  }
0x1b: {  	s9 =	sadd.s32 $0xFFFFFEF7, lr;
	s5 =	simm.s32 $0xFFFFFFFF;
	p2 =	slt.u32 s8, $0xFFFFF086  }
0x1c: {  	p1 =	slt.u32 s9, $0xF7A;
	s5 =	simm.s32 @!p2 $0x0  }
0x1d: {  	s5 =	simm.s32 @p1 $0x1;
	p0 =	seq.s32 s7, s2  }
0x1e: {  	s7 =	smul.u32 @!p0 $0xF7A, s2;
	p2 =	seq.s32 @!p0 s5, $0x0  }
0x1f: {  	s9 =	smul.u32 $0xF7A, s1;
	s8 =	simm.s32 @!p0 $0x1BF5;
	p2 =	por !p2, p0  }
0x20: {  	[sflag:s8] =	ssyncset.s32 @!p0 $0xFFFFF086;
	s6 =	sadd.s32 @!p0 s3, s7;
	s7 =	simm.s32 @!p0 $0x108  }
0x21: {  	s3 =	sadd.s32 s3, s9;
	s6 =	sadd.s32 @!p0 $0x88, s6;
	s7 =	simm.s32 @p2 $0x1082  }
0x22: {  	[simem:s7], [sflag:s8] =	dma.local @!p0 [hbm:s6], $0xF7A  }
0x23: {  	s9 =	sor.u32 $0xD0000000, s2;
	s6 =	simm.s32 $0x108;
	_ =	swait.ge @!p0 [sflag:s8], $0x0  }
0x24: {  	s3 =	sadd.s32 $0x88, s3;
	s6 =	simm.s32 @!p1 $0x1082;
	[sflag:s4] =	ssyncset.s32 $0xFFFFF086  }
0x25: {  	[simem:s6], [sflag:s4] =	dma.local [hbm:s3], $0xF7A  }
0x26: {  	[smem:$0x3F8B] =	sst s1;
	(tag) =	ssettag s2;
	_ =	strace s9  }
0x27: {  	s1 =	sld [smem:$0x3F9B]  }
0x28: {  	s2 =	sld [smem:$0x3F9C]  }
0x29: {  	s4 =	sld [smem:$0x3F9E]  }
0x2a: {  	p0 =	seq.s32 s5, $0x0;
	s5 =	sld [smem:$0x3F9F]  }
0x2b: {  	s6 =	sld [smem:$0x3FA0]  }
0x2c: {  	s7 =	sld [smem:$0x3FA1]  }
0x2d: {  	s3 =	simm.s32 $0x108;
	s8 =	sld [smem:$0x3FA2]  }
0x2e: {  	s3 =	simm.s32 @!p0 $0x1082;
	s9 =	sld [smem:$0x3FA3]  }
0x2f: {  	lr =	sadd.s32 s0, s3;
	s0 =	sld [smem:$0x3F9A]  }
0x30: {  	s3 =	sld [smem:$0x3F9D]  }
0x31: {  	[smem:$0x3FA6] =	sst s10  }
0x32: {  	s10 =	sld [smem:$0x3FA4];
	_ =	sdelay $0x3  }
0x33: {  	p0 =	seq.s32 s10, $0x1;
	s10 =	sld [smem:$0x3FA6];
	_ =	sdelay $0x3  }
0x34: {  	[smem:$0x3FA6] =	sst s10  }
0x35: {  	s10 =	sld [smem:$0x3FA5];
	_ =	sdelay $0x3  }
0x36: {  	p1 =	seq.s32 s10, $0x1;
	s10 =	sld [smem:$0x3FA6];
	_ =	sdelay $0x3  }
0x37: {  	[smem:$0x3FA6] =	sst s10  }
0x38: {  	s10 =	sld [smem:$0x3FA7]  }
0x39: {  	_ = 	snop;
	(pc) =	sbr.ind lr, $3  }
0x3a: {  	_ = 	snop  }
0x3b: {  	_ = 	snop  }
0x3c: {  	p2 =	seq.s32 s10, $0x1;
	s10 =	sld [smem:$0x3FA6]  }
0x3d: {  	_ =	shalt  }
0x3e: {  	_ =	shalt  }
0x3f: {  	_ =	shalt  }
0x40: {  	_ =	shalt  }
0x41: {  	_ =	shalt  }
0x42: {  	_ =	shalt  }
0x43: {  	_ =	shalt  }
0x44: {  	_ =	shalt  }
0x45: {  	_ =	shalt  }
0x46: {  	_ =	shalt  }
0x47: {  	_ =	shalt  }
0x48: {  	_ =	shalt  }
0x49: {  	_ =	shalt  }
0x4a: {  	_ =	shalt  }
0x4b: {  	_ =	shalt  }
0x4c: {  	_ =	shalt  }
0x4d: {  	_ =	shalt  }
0x4e: {  	_ =	shalt  }
0x4f: {  	_ =	shalt  }
0x50: {  	_ =	shalt  }
0x51: {  	_ =	shalt  }
0x52: {  	_ =	shalt  }
0x53: {  	_ =	shalt  }
0x54: {  	_ =	shalt  }
0x55: {  	_ =	shalt  }
0x56: {  	_ =	shalt  }
0x57: {  	_ =	shalt  }
0x58: {  	_ =	shalt  }
0x59: {  	_ =	shalt  }
0x5a: {  	_ =	shalt  }
0x5b: {  	_ =	shalt  }
0x5c: {  	_ =	shalt  }
0x5d: {  	_ =	shalt  }
0x5e: {  	_ =	shalt  }
0x5f: {  	_ =	shalt  }
0x60: {  	_ =	shalt  }
0x61: {  	_ =	shalt  }
0x62: {  	_ =	shalt  }
0x63: {  	_ =	shalt  }
0x64: {  	_ =	shalt  }
0x65: {  	_ =	shalt  }
0x66: {  	_ =	shalt  }
0x67: {  	_ =	shalt  }
0x68: {  	_ =	shalt  }
0x69: {  	_ =	shalt  }
0x6a: {  	_ =	shalt  }
0x6b: {  	_ =	shalt  }
0x6c: {  	_ =	shalt  }
0x6d: {  	_ =	shalt  }
0x6e: {  	_ =	shalt  }
0x6f: {  	_ =	shalt  }
0x70: {  	_ =	shalt  }
0x71: {  	_ =	shalt  }
0x72: {  	_ =	shalt  }
0x73: {  	_ =	shalt  }
0x74: {  	_ =	shalt  }
0x75: {  	_ =	shalt  }
0x76: {  	_ =	shalt  }
0x77: {  	_ =	shalt  }
0x78: {  	_ =	shalt  }
0x79: {  	_ =	shalt  }
0x7a: {  	_ =	shalt  }
0x7b: {  	_ =	shalt  }
0x7c: {  	_ =	shalt  }
0x7d: {  	_ =	shalt  }
0x7e: {  	_ =	shalt  }
0x7f: {  	_ =	shalt  }
0x80: {  	_ =	shalt  }
0x81: {  	_ =	shalt  }
0x82: {  	_ =	shalt  }
0x83: {  	_ =	shalt  }
0x84: {  	_ =	shalt  }
0x85: {  	_ =	shalt  }
0x86: {  	_ =	shalt  }
0x87: {  	_ =	shalt  }
.Lfunc_end0:
.L_simem_size_0:
called_computation.2_lowered:
.L_overlay_start_0:
0x88: {  	s2 =	sld [smem:$0x3FD9]  }
0x89: {  	s3 =	sld [smem:$0x3FFE];
	_ =	sdelay $0x1  }
0x8a: {  	s1 =	srdreg.scid  }
0x8b: {  	s0 =	sand.u32 $0x1, s1  }
0x8c: {  	s17 =	sshll.u32 s0, $0xA;
	s2 =	sadd.s32 s3, s2  }
0x8d: {  	s2 =	sadd.s32 s2, s17  }
0x8e: {  	[smem:$0x3FB2] =	sst s2  }
0x8f: {  	_ = 	snop  }
0x90: {  	s2 =	sld [smem:$0x3FD0];
	(tm) =	ssettm $0x1  }
0x91: {  	s18 =	sld [smem:$0x3FFB];
	_ =	sdelay $0x3  }
0x92: {  	_ =	strace s18  }
0x93: {  	s3 =	sld [smem:$0x3FFC];
	_ =	sdelay $0x3  }
0x94: {  	_ =	strace s3  }
0x95: {  	s3 =	sld [smem:$0x3FFD];
	_ =	sdelay $0x3  }
0x96: {  	_ =	strace s3  }
0x97: {  	_ =	strace $0x8FFFFFFF  }
0x98: {  	s19 =	sld [smem:$0x3FDB];
	_ =	sdelay $0x1  }
0x99: {  	s4 =	simm.s32 $_scs_section_size  }
0x9a: {  	s5 =	simm.s32 $_size__tile_overlayer_lowered;
	s6 =	simm.s32 $_tile_overlayer_lowered  }
0x9b: {  	s22 =	simm.s32 $0x1BFF;
	s21 =	sshll.u32 s6, $0x1;
	s3 =	sadd.s32 s4, s19  }
0x9c: {  	s7 =	simm.s32 $0x0;
	s20 =	sshll.u32 s5, $0x1;
	s5 =	sadd.s32 s21, s3  }
0x9d: {  	[timem:s7], [sflag:s22] =	dma.local [hbm:s5], s20  }
0x9e: {  	_ =	swait.ge [sflag:s22], s20  }
0x9f: {  	s4 =	ssub.s32 $0x0, s20;
	[sflag:s22] =	ssyncset.done $0x0  }
0xa0: {  	[sflag:s22] =	ssyncadd.s32 s4;
	_ =	sdelay $0x1  }
0xa1: {  	s23 =	simm.s32 $0x1B8B  }
0xa2: {  	_ =	swait.ge [sflag:s23], $0x1  }
0xa3: {  	[sflag:s23] =	ssyncset.done $0x0  }
0xa4: {  	s25 =	simm.s32 $0x1B8E;
	s24 =	sld [smem:$0x3FFE];
	[sflag:s23] =	ssyncadd.s32 $0xFFFFFFFF  }
0xa5: {  	s26 =	simm.s32 $execute0_lowered;
	[smem:$0x3FD2] =	sst s25  }
0xa6: {  	s5 =	sshll.u32 s26, $0x1;
	_ =	strace $0x8000004C;
	[dreg:$0x1] =	wrdreg $0xFFFFFFFF  }
0xa7: {  	s28 =	simm.s32 $_size_execute0_lowered;
	s3 =	sadd.s32 s3, s5;
	[dreg:$0x0] =	wrdreg $0x0  }
0xa8: {  	s5 =	sshll.u32 s28, $0x1;
	[dreg:$0x2] =	wrdreg s3  }
0xa9: {  	[dreg:$0x3] =	wrdreg s5  }
0xaa: {  	[dreg:$0x4] =	wrdreg $0xC0  }
0xab: {  	_ =	task [dreg:s7], $0x5FFFF  }
0xac: {  	[dreg:$0x1] =	wrdreg $0xFFFFFFFF  }
0xad: {  	[dreg:$0x0] =	wrdreg $0x60  }
0xae: {  	[dreg:$0x2] =	wrdreg s24  }
0xaf: {  	[dreg:$0x3] =	wrdreg s2  }
0xb0: {  	[dreg:$0x4] =	wrdreg $0x0  }
0xb1: {  	[dreg:$0x5] =	wrdreg $0x9  }
0xb2: {  	_ =	task.clear_ibuf [dreg:s7], $0x6FFFF;
	_ =	strace $0x9000004C  }
0xb3: {  	s29 =	simm.s32 $0x9;
	_ =	strace $0x8000004E  }
0xb4: {  	_ =	swait.ge [sflag:s29], $0x1  }
0xb5: {  	[sflag:s29] =	ssyncadd.s32 $0xFFFFFFFF  }
0xb6: {  	_ =	strace $0x9000004E  }
0xb7: {  	_ =	sfence  }
0xb8: {  	s30 =	sld [smem:$0x0];
	_ =	sdelay $0x2  }
0xb9: {  	s31 =	sshll.u32 s1, $0xD;
	s1 =	sshrl.u32 s1, $0x2  }
0xba: {  	s3 =	sand.u32 $0x4000, s31;
	s1 =	sadd.s32 s1, s30  }
0xbb: {  	s0 =	sor.u32 s3, s0;
	s1 =	sshll.u32 s1, $0x11  }
0xbc: {  	s0 =	sor.u32 s1, s0  }
0xbd: {  	s0 =	sadd.s32 $0x8F2B, s0  }
0xbe: {  	[sflag:s0] =	ssyncadd.remote.s32 $0x1  }
0xbf: {  	_ =	sfence.sel $0xFFFF  }
0xc0: {  	[dreg:$0x0] =	wrdreg $0xFFFFFFFF;
	(pc) =	sbr.abs _section_cstart, $3  }
0xc1: {  	[dreg:$0x1] =	wrdreg $0xFFFFFFFF  }
0xc2: {  	_ =	task.clear_ibuf [dreg:s7], $0x2FFFF;
	_ =	strace $0x9FFFFFFF  }
0xc3: {  	(tm) =	ssettm $0x7FFFFFFF  }
tec
execute0_lowered:
.L_overlay_start_1:
0x0: {  	(tag) =	ssettag $0x1  }
0x1: {  	s0 =	rddreg [dreg:$0x0]  }
0x2: {  	s1 =	rddreg [dreg:$0x1]  }
0x3: {  	s2 =	rddreg [dreg:$0x2];
	s4 =	simm.s32 $0x0  }
0x4: {  	s3 =	srdreg.scid;
	s13 =	stileid.u32;
	s28 =	simm.s32 $0x18F88  }
0x5: {  	s29 =	simm.s32 $0x18FB0;
	s30 =	simm.s32 $0x1A630;
	s31 =	simm.s32 $0x1  }
0x6: {  	[smem:$0x7FF] =	sst s4;
	s3 =	sand.u32 $0x1, s3;
	s8 =	smul.u32 $0x15F90, s13  }
0x7: {  	s5 =	sadd.s32 $0x9F400, s0;
	s6 =	sadd.s32 $0xCB400, s0;
	s7 =	sadd.s32 $0xD0400, s0  }
0x8: {  	s18 =	sshll.u32 s13, $0x6;
	s19 =	smul.u32 $0x2710, s13;
	_ =	strace $0x8000004D  }
0x9: {  	s9 =	smul.u32 $0x15F900, s3;
	s10 =	sshll.u32 s3, $0x4;
	s11 =	ssub.s32 $0x2, s3  }
0xa: {  	s3 =	smul.u32 $0x27100, s3;
	s10 =	sor.u32 s13, s10;
	s12 =	sshrl.u32 s11, $0x1  }
0xb: {  	s9 =	sadd.s32 s8, s9;
	s10 =	smul.u32 $0x2710, s10;
	s11 =	ssub.s32 s11, s12  }
0xc: {  	s8 =	sadd.s32 s8, s2;
	s3 =	sadd.s32 s19, s3;
	s9 =	sshrl.u32 s9, $0x3  }
0xd: {  	s23 =	sadd.s32 $0x78, s3;
	s26 =	smax.u32 s11, $0x1;
	s19 =	sshrl.u32 s8, $0x3  }
0xe: {  	s8 =	simm.s32 $0x1A8B0;
	s0 =	sadd.s32 s9, s0;
	s9 =	sor.u32 $0x1C03, s18  }
0xf: {  	s21 =	sshrl.u32 s10, $0x3;
	s10 =	sadd.s32 $0x28, s10;
	s25 =	sshrl.u32 s23, $0x3  }
0x10: {  	[dreg:$0xa] =	wrdreg s26;
	s18 =	sadd.s32 $0x50, s3;
	s23 =	simm.s32 $0x28  }
0x11: {  	s26 =	simm.s32 $0x18F60;
	s3 =	simm.s32 $0x178E0;
	s20 =	sadd.s32 $0xDA200, s0  }
0x12: {  	s14 =	sadd.s32 s1, s21;
	s22 =	sadd.s32 s7, s21;
	s10 =	sshrl.u32 s10, $0x3  }
0x13: {  	s0 =	sadd.s32 $0x3000, s0;
	s16 =	sadd.s32 s25, s7;
	[dreg:$0x4] =	wrdreg s20  }
0x14: {  	s17 =	sadd.s32 s25, s1;
	s21 =	simm.s32 $0x15F90;
	[dreg:$0x5] =	wrdreg s14  }
0x15: {  	s25 =	simm.s32 $0x17660;
	[dreg:$0x6] =	wrdreg s22;
	s24 =	sadd.s32 s1, s10  }
0x16: {  	s10 =	sadd.s32 s7, s10;
	[dreg:$0x9] =	wrdreg s0;
	s20 =	simm.s32 $0x3  }
0x17: {  	s22 =	simm.s32 $0x15FB8;
	s0 =	simm.s32 $0x2;
	[dreg:$0x7] =	wrdreg s24  }
0x18: {  	[dreg:$0x8] =	wrdreg s10;
	s24 =	simm.s32 $0x15FE0;
	s10 =	simm.s32 $0x0  }
.LBB2_1:
0x19: {  	s11 =	rddreg [dreg:$0x4]  }
0x1a: {  	[spmem:s19], [sflag:s9] =	dma.local [hbm:s11], $0x2BF2  }
0x1b: {  	_ =	swait.ge [sflag:s20], $0x2BF2  }
0x1c: {  	[sflag:s20] =	ssyncset.done $0x0  }
0x1d: {  	[sflag:s20] =	ssyncadd.s32 $0xFFFFD40E  }
0x1e: {  	[bflag:$0x0] =	sbarrier.arrive $0xFFFF  }
0x1f: {  	s13 =	rddreg [dreg:$0x5]  }
0x20: {  	[tilespmem:s21], [sflag:$0x3] =	stream.linear.gather [hbm4b:s13+s4], $0x28, $0x38;
	[tilespmem:$0x1BF30] =	vst v63  }
0x21: {  	_ =	swait.ge [sflag:s20], $0x28  }
0x22: {  	[sflag:s20] =	ssyncset.done $0x0  }
0x23: {  	s14 =	rddreg [dreg:$0x6];
	[sflag:s20] =	ssyncadd.s32 $0xFFFFFFD8  }
0x24: {  	[tilespmem:s22], [sflag:$0x3] =	stream.linear.gather [hbm4b:s14+s4], $0x28, $0x38;
	[tilespmem:$0x1BF30] =	vst v63  }
0x25: {  	_ =	swait.ge [sflag:s20], $0x28  }
0x26: {  	[sflag:s20] =	ssyncset.done $0x0  }
0x27: {  	[sflag:s20] =	ssyncadd.s32 $0xFFFFFFD8  }
0x28: {  	[tilespmem:s24], [sflag:$0x1] =	stream.indirect.gather [hbm4b:s5+s23], $0x90, s21, s23, $0xb8;
	[tilespmem:$0x1BF30] =	vst v63  }
0x29: {  	_ = 	snop  }
0x2a: {  	[tilespmem:s25], [sflag:$0x1] =	stream.indirect.gather [hbm4b:s6+s23], $0x10, s22, s23, $0xb8;
	[tilespmem:$0x1BF30] =	vst v63  }
0x2b: {  	s15 =	rddreg [dreg:$0x7]  }
0x2c: {  	[tilespmem:s26], [sflag:$0x3] =	stream.linear.gather [hbm4b:s15+s4], $0x28, $0x38;
	[tilespmem:$0x1BF30] =	vst v63  }
0x2d: {  	_ =	swait.ge [sflag:s20], $0x28  }
0x2e: {  	[sflag:s20] =	ssyncset.done $0x0  }
0x2f: {  	s12 =	rddreg [dreg:$0x8];
	[sflag:s20] =	ssyncadd.s32 $0xFFFFFFD8  }
0x30: {  	[tilespmem:s28], [sflag:$0x3] =	stream.linear.gather [hbm4b:s12+s4], $0x28, $0x38;
	[tilespmem:$0x1BF30] =	vst v63  }
0x31: {  	_ =	swait.ge [sflag:s20], $0x28  }
0x32: {  	[sflag:s20] =	ssyncset.done $0x0  }
0x33: {  	[sflag:s20] =	ssyncadd.s32 $0xFFFFFFD8  }
0x34: {  	[tilespmem:s29], [sflag:$0x2] =	stream.indirect.gather [hbm4b:s5+s23], $0x90, s26, s23, $0xb8;
	[tilespmem:$0x1BF30] =	vst v63  }
0x35: {  	_ = 	snop  }
0x36: {  	[tilespmem:s30], [sflag:$0x2] =	stream.indirect.gather [hbm4b:s6+s23], $0x10, s28, s23, $0xb8;
	[tilespmem:$0x1BF30] =	vst v63  }
0x37: {  	_ =	swait.ge [sflag:s31], $0x1680  }
0x38: {  	[sflag:s31] =	ssyncset.done $0x0  }
0x39: {  	[sflag:s31] =	ssyncadd.s32 $0xFFFFE980  }
0x3a: {  	_ =	swait.ge [sflag:s31], $0x280  }
0x3b: {  	[sflag:s31] =	ssyncset.done $0x0  }
0x3c: {  	[sflag:s31] =	ssyncadd.s32 $0xFFFFFD80  }
0x3d: {  	_ =	swait.ge [sflag:s0], $0x1680  }
0x3e: {  	[sflag:s0] =	ssyncset.done $0x0  }
0x3f: {  	[sflag:s0] =	ssyncadd.s32 $0xFFFFE980  }
0x40: {  	_ =	swait.ge [sflag:s0], $0x280  }
0x41: {  	[sflag:s0] =	ssyncset.done $0x0  }
0x42: {  	[sflag:s0] =	ssyncadd.s32 $0xFFFFFD80  }
0x43: {  	[spmem:s2] =	stream.indirect.scatter.add.f32 [tilespmem:s3], [sflag:$0x3], $0x90, s22, s23, $0xb8;
	[tilespmem:$0x1BF30] =	vst v63  }
0x44: {  	_ =	swait.ge [sflag:s20], $0x1680  }
0x45: {  	[sflag:s20] =	ssyncset.done $0x0  }
0x46: {  	[sflag:s20] =	ssyncadd.s32 $0xFFFFE980  }
0x47: {  	[spmem:s2] =	stream.indirect.scatter.add.f32 [tilespmem:s8], [sflag:$0x3], $0x90, s28, s23, $0xb8;
	[tilespmem:$0x1BF30] =	vst v63  }
0x48: {  	_ =	swait.ge [sflag:s20], $0x1680  }
0x49: {  	s13 =	sshrl.u32 s18, $0x3;
	[sflag:s20] =	ssyncset.done $0x0  }
0x4a: {  	s12 =	sadd.s32 s1, s13;
	[sflag:s20] =	ssyncadd.s32 $0xFFFFE980  }
0x4b: {  	[tilespmem:s21], [sflag:$0x3] =	stream.linear.gather [hbm4b:s12+s4], $0x28, $0x38;
	[tilespmem:$0x1BF30] =	vst v63  }
0x4c: {  	_ =	swait.ge [sflag:s20], $0x28  }
0x4d: {  	[sflag:s20] =	ssyncset.done $0x0  }
0x4e: {  	s11 =	sadd.s32 s7, s13;
	[sflag:s20] =	ssyncadd.s32 $0xFFFFFFD8  }
0x4f: {  	[tilespmem:s22], [sflag:$0x3] =	stream.linear.gather [hbm4b:s11+s4], $0x28, $0x38;
	[tilespmem:$0x1BF30] =	vst v63  }
0x50: {  	_ =	swait.ge [sflag:s20], $0x28  }
0x51: {  	[sflag:s20] =	ssyncset.done $0x0  }
0x52: {  	[sflag:s20] =	ssyncadd.s32 $0xFFFFFFD8  }
0x53: {  	[tilespmem:s24], [sflag:$0x1] =	stream.indirect.gather [hbm4b:s5+s23], $0x90, s21, s23, $0xb8;
	[tilespmem:$0x1BF30] =	vst v63  }
0x54: {  	_ = 	snop  }
0x55: {  	[tilespmem:s25], [sflag:$0x1] =	stream.indirect.gather [hbm4b:s6+s23], $0x10, s22, s23, $0xb8;
	[tilespmem:$0x1BF30] =	vst v63  }
0x56: {  	s14 =	sadd.s32 $0x0, s17  }
0x57: {  	[tilespmem:s26], [sflag:$0x3] =	stream.linear.gather [hbm4b:s14+s4], $0x28, $0x38;
	[tilespmem:$0x1BF30] =	vst v63  }
0x58: {  	_ =	swait.ge [sflag:s20], $0x28  }
0x59: {  	[sflag:s20] =	ssyncset.done $0x0  }
0x5a: {  	s15 =	sadd.s32 $0x0, s16;
	[sflag:s20] =	ssyncadd.s32 $0xFFFFFFD8  }
0x5b: {  	[tilespmem:s28], [sflag:$0x3] =	stream.linear.gather [hbm4b:s15+s4], $0x28, $0x38;
	[tilespmem:$0x1BF30] =	vst v63  }
0x5c: {  	_ =	swait.ge [sflag:s20], $0x28  }
0x5d: {  	[sflag:s20] =	ssyncset.done $0x0  }
0x5e: {  	s12 =	sadd.s32 $0x50, s18;
	s11 =	simm.s32 $0xA;
	[sflag:s20] =	ssyncadd.s32 $0xFFFFFFD8  }
0x5f: {  	[tilespmem:s29], [sflag:$0x2] =	stream.indirect.gather [hbm4b:s5+s23], $0x90, s26, s23, $0xb8;
	[tilespmem:$0x1BF30] =	vst v63  }
.LBB2_2:
0x60: {  	[tilespmem:s30], [sflag:$0x2] =	stream.indirect.gather [hbm4b:s6+s23], $0x10, s28, s23, $0xb8;
	[tilespmem:$0x1BF30] =	vst v63  }
0x61: {  	s13 =	smov.u32 s11  }
0x62: {  	p0 =	sne.s32 s11, $0x4D8;
	s11 =	sadd.s32 $0xA, s11;
	_ =	swait.ge [sflag:s31], $0x1680  }
0x63: {  	[sflag:s31] =	ssyncset.done $0x0  }
0x64: {  	[sflag:s31] =	ssyncadd.s32 $0xFFFFE980  }
0x65: {  	_ =	swait.ge [sflag:s31], $0x280  }
0x66: {  	[sflag:s31] =	ssyncset.done $0x0  }
0x67: {  	[sflag:s31] =	ssyncadd.s32 $0xFFFFFD80  }
0x68: {  	_ =	swait.ge [sflag:s0], $0x1680  }
0x69: {  	[sflag:s0] =	ssyncset.done $0x0  }
0x6a: {  	[sflag:s0] =	ssyncadd.s32 $0xFFFFE980  }
0x6b: {  	_ =	swait.ge [sflag:s0], $0x280  }
0x6c: {  	[sflag:s0] =	ssyncset.done $0x0  }
0x6d: {  	[sflag:s0] =	ssyncadd.s32 $0xFFFFFD80  }
0x6e: {  	[spmem:s2] =	stream.indirect.scatter.add.f32 [tilespmem:s3], [sflag:$0x3], $0x90, s22, s23, $0xb8;
	[tilespmem:$0x1BF30] =	vst v63  }
0x6f: {  	_ =	swait.ge [sflag:s20], $0x1680  }
0x70: {  	[sflag:s20] =	ssyncset.done $0x0  }
0x71: {  	[sflag:s20] =	ssyncadd.s32 $0xFFFFE980  }
0x72: {  	[spmem:s2] =	stream.indirect.scatter.add.f32 [tilespmem:s8], [sflag:$0x3], $0x90, s28, s23, $0xb8;
	[tilespmem:$0x1BF30] =	vst v63  }
0x73: {  	_ =	swait.ge [sflag:s20], $0x1680  }
0x74: {  	s14 =	sshrl.u32 s12, $0x3;
	[sflag:s20] =	ssyncset.done $0x0  }
0x75: {  	s15 =	sadd.s32 s1, s14;
	[sflag:s20] =	ssyncadd.s32 $0xFFFFE980  }
0x76: {  	[tilespmem:s21], [sflag:$0x3] =	stream.linear.gather [hbm4b:s15+s4], $0x28, $0x38;
	[tilespmem:$0x1BF30] =	vst v63  }
0x77: {  	_ =	swait.ge [sflag:s20], $0x28  }
0x78: {  	[sflag:s20] =	ssyncset.done $0x0  }
0x79: {  	s14 =	sadd.s32 s7, s14;
	[sflag:s20] =	ssyncadd.s32 $0xFFFFFFD8  }
0x7a: {  	[tilespmem:s22], [sflag:$0x3] =	stream.linear.gather [hbm4b:s14+s4], $0x28, $0x38;
	[tilespmem:$0x1BF30] =	vst v63  }
0x7b: {  	_ =	swait.ge [sflag:s20], $0x28  }
0x7c: {  	[sflag:s20] =	ssyncset.done $0x0  }
0x7d: {  	[sflag:s20] =	ssyncadd.s32 $0xFFFFFFD8  }
0x7e: {  	[tilespmem:s24], [sflag:$0x1] =	stream.indirect.gather [hbm4b:s5+s23], $0x90, s21, s23, $0xb8;
	[tilespmem:$0x1BF30] =	vst v63  }
0x7f: {  	_ = 	snop  }
0x80: {  	[tilespmem:s25], [sflag:$0x1] =	stream.indirect.gather [hbm4b:s6+s23], $0x10, s22, s23, $0xb8;
	[tilespmem:$0x1BF30] =	vst v63  }
0x81: {  	s14 =	sadd.s32 s13, s17  }
0x82: {  	[tilespmem:s26], [sflag:$0x3] =	stream.linear.gather [hbm4b:s14+s4], $0x28, $0x38;
	[tilespmem:$0x1BF30] =	vst v63  }
0x83: {  	_ =	swait.ge [sflag:s20], $0x28  }
0x84: {  	[sflag:s20] =	ssyncset.done $0x0  }
0x85: {  	s13 =	sadd.s32 s13, s16;
	[sflag:s20] =	ssyncadd.s32 $0xFFFFFFD8  }
0x86: {  	[tilespmem:s28], [sflag:$0x3] =	stream.linear.gather [hbm4b:s13+s4], $0x28, $0x38;
	[tilespmem:$0x1BF30] =	vst v63  }
.Ltmp0:
0x87: {  	_ =	swait.ge [sflag:s20], $0x28;
	(pc) =	sbr.rel @p0 .LBB2_2-.Ltmp0, $4  }
0x88: {  	[sflag:s20] =	ssyncset.done $0x0  }
0x89: {  	[sflag:s20] =	ssyncadd.s32 $0xFFFFFFD8  }
0x8a: {  	[tilespmem:s29], [sflag:$0x2] =	stream.indirect.gather [hbm4b:s5+s23], $0x90, s26, s23, $0xb8;
	[tilespmem:$0x1BF30] =	vst v63  }
0x8b: {  	s12 =	sadd.s32 $0x50, s12  }
0x8c: {  	[tilespmem:s30], [sflag:$0x2] =	stream.indirect.gather [hbm4b:s6+s23], $0x10, s28, s23, $0xb8;
	[tilespmem:$0x1BF30] =	vst v63  }
0x8d: {  	_ =	swait.ge [sflag:s31], $0x1680  }
0x8e: {  	[sflag:s31] =	ssyncset.done $0x0  }
0x8f: {  	[sflag:s31] =	ssyncadd.s32 $0xFFFFE980  }
0x90: {  	_ =	swait.ge [sflag:s31], $0x280  }
0x91: {  	[sflag:s31] =	ssyncset.done $0x0  }
0x92: {  	[sflag:s31] =	ssyncadd.s32 $0xFFFFFD80  }
0x93: {  	_ =	swait.ge [sflag:s0], $0x1680  }
0x94: {  	[sflag:s0] =	ssyncset.done $0x0  }
0x95: {  	[sflag:s0] =	ssyncadd.s32 $0xFFFFE980  }
0x96: {  	_ =	swait.ge [sflag:s0], $0x280  }
0x97: {  	[sflag:s0] =	ssyncset.done $0x0  }
0x98: {  	[sflag:s0] =	ssyncadd.s32 $0xFFFFFD80  }
0x99: {  	[bflag:$0x0] =	sbarrier.arrive $0xFFFF  }
0x9a: {  	s11 =	rddreg [dreg:$0x9]  }
0x9b: {  	[hbm:s11], [sflag:s9] =	dma.local [spmem:s19], $0x2BF2  }
0x9c: {  	_ =	swait.ge [sflag:s20], $0x2BF2  }
0x9d: {  	s10 =	sadd.s32 $0x1, s10;
	s15 =	rddreg [dreg:$0xa]  }
0x9e: {  	p0 =	sne.s32 s10, s15  }
.Ltmp1:
0x9f: {  	_ = 	snop;
	(pc) =	sbr.rel @p0 .LBB2_1-.Ltmp1, $3  }
0xa0: {  	_ =	sdelay $0x1  }
0xa1: {  	[sflag:s20] =	ssyncset.done $0x0  }
0xa2: {  	[sflag:s20] =	ssyncadd.s32 $0xFFFFD40E  }
0xa3: {  	_ =	sfence.sel $0x180000  }
0xa4: {  	[bflag:$0x0] =	sbarrier.arrive $0xFFFF  }
0xa5: {  	_ =	strace $0x9000004D  }
0xa6: {  	s0 =	stileid.u32;
	[bflag:$0x2] =	sbarrier.arrive $0xFFFF  }
0xa7: {  	p0 =	sne.s32 s0, $0x0;
	s0 =	rddreg [dreg:$0x3]  }
0xa8: {  	s0 =	sadd.s32 @!p0 $0x100000, s0  }
0xa9: {  	[sflag:s0] =	ssyncadd.tile.s32 @!p0 $0x1;
	_ =	shalt  }
.Lfunc_end2:
_tile_overlayer_lowered:
.L_overlay_start_2:
0xaa: {  	(tag) =	ssettag $0x2  }
0xab: {  	s0 =	rddreg [dreg:$0x0];
	s2 =	stileid.u32  }
0xac: {  	s1 =	rddreg [dreg:$0x1];
	p0 =	sne.s32 s2, $0x0  }
0xad: {  	s3 =	rddreg [dreg:$0x2];
	[bflag:$0x3] =	sbarrier.arrive $0xFFFF;
	s2 =	simm.s32 @!p0 $0x1C03  }
0xae: {  	[timem:s3], [sflag:s2] =	dma.local @!p0 [hbm:s0], s1  }
0xaf: {  	s0 =	simm.s32 @!p0 $0x3  }
0xb0: {  	_ =	swait.ge @!p0 [sflag:s0], s1  }
0xb1: {  	s1 =	ssub.s32 @!p0 $0x0, s1;
	[sflag:s0] =	ssyncset.done @!p0 $0x0  }
0xb2: {  	[sflag:s0] =	ssyncadd.s32 @!p0 s1  }
0xb3: {  	[bflag:$0x3] =	sbarrier.arrive $0xFFFF  }
0xb4: {  	_ =	shalt  }

</sc_bundles>
